<compile_context>
chip_gen: v7x
topology: tpu7x:2x2x1
jax: 0.10.2.dev20260603
libtpu: 0.0.44.dev20260713+nightly
codegen_flags: <defaults>
</compile_context>

<pallas_src>
import functools

import jax
import jax.numpy as jnp
from jax import lax
from jax.experimental import pallas as pl
from jax.experimental.pallas import tpu as pltpu
from jax.experimental.pallas import tpu_sc as plsc

N = 50000
E = 800000
D = 65
EMB = 32
G = 1024

NP = 50176
NSEG = 2
QH = NP // NSEG
QHW = QH * D
DUMP = 1280
CW = QHW + DUMP
CFLAT = NSEG * QHW

ES = E // 16
K = 2000
NCH = ES // K
SL = NP // 16
HSL = SL // 2
ZB = 3920
TW = QHW // 16
NZC = TW // ZB

BLK = 512
NBLK = NP // BLK


def _rsqrt_newton(v):
    iv = lax.bitcast_convert_type(v, jnp.int32)
    y = lax.bitcast_convert_type(jnp.int32(0x5F3759DF) - (iv >> 1),
                                 jnp.float32)
    for _ in range(3):
        y = y * (1.5 - 0.5 * v * y * y)
    return y


_sc_mesh = plsc.VectorSubcoreMesh(core_axis_name="c", subcore_axis_name="s")


@functools.partial(
    pl.kernel,
    mesh=_sc_mesh,
    compiler_params=pltpu.CompilerParams(needs_layout_passes=False),
    out_type=[
        jax.ShapeDtypeStruct((NP,), jnp.float32),
        jax.ShapeDtypeStruct((CFLAT,), jnp.float32),
    ],
    scratch_types=[
        pltpu.VMEM((K,), jnp.float32),
        pltpu.VMEM((K,), jnp.int32),
        pltpu.VMEM((K,), jnp.int32),
        pltpu.VMEM((K,), jnp.int32),
        pltpu.VMEM((K,), jnp.float32),
        pltpu.VMEM((SL,), jnp.float32),
        pltpu.VMEM((ZB,), jnp.float32),
        pltpu.VMEM((ZB,), jnp.float32),
        pltpu.VMEM_SHARED((NP,), jnp.float32),
        pltpu.VMEM_SHARED((NP,), jnp.float32),
        pltpu.VMEM_SHARED((CW,), jnp.float32),
    ],
)
def _sc_scatter(x_hbm, src_hbm, dst_hbm, dinv_hbm, c_hbm,
                cxg, srcb, dstb, idxb, valb, onesb, zbuf, drainb,
                deg_sh, cx_sh, C_sh):
    c = lax.axis_index("c")
    s = lax.axis_index("s")

    def fill_ones(i, _):
        onesb[pl.ds(i * 16, 16)] = jnp.full((16,), 1.0, jnp.float32)
        return 0
    lax.fori_loop(0, SL // 16, fill_ones, 0)

    def fill_zero(i, _):
        zbuf[pl.ds(i * 16, 16)] = jnp.zeros((16,), jnp.float32)
        return 0
    lax.fori_loop(0, ZB // 16, fill_zero, 0)

    pltpu.sync_copy(onesb, deg_sh.at[pl.ds(s * SL, SL)])

    plsc.subcore_barrier()

    def deg_chunk(j, _):
        off = s * ES + j * K
        pltpu.sync_copy(dst_hbm.at[pl.ds(off, K)], dstb)
        pltpu.sync_copy(onesb.at[pl.ds(0, K)], deg_sh.at[dstb], add=True)
        return 0
    lax.fori_loop(0, NCH, deg_chunk, 0)

    plsc.subcore_barrier()

    pltpu.sync_copy(deg_sh.at[pl.ds(s * SL, SL)], onesb)

    def newton(g, _):
        v = onesb[pl.ds(g * 16, 16)]
        onesb[pl.ds(g * 16, 16)] = _rsqrt_newton(v)
        return 0
    lax.fori_loop(0, SL // 16, newton, 0)

    @pl.when(c == 0)
    def _():
        pltpu.sync_copy(onesb, dinv_hbm.at[pl.ds(s * SL, SL)])

    for h in range(2):
        pltpu.sync_copy(x_hbm.at[pl.ds(s * SL + h * HSL, HSL)],
                        srcb.at[pl.ds(0, HSL)])

        def pack(g, _):
            xi = srcb[pl.ds(g * 16, 16)]
            dv = onesb[pl.ds(h * HSL + g * 16, 16)]
            onesb[pl.ds(h * HSL + g * 16, 16)] = (
                2.0 * xi.astype(jnp.float32) + dv)
            return 0
        lax.fori_loop(0, HSL // 16, pack, 0)

    pltpu.sync_copy(onesb, cx_sh.at[pl.ds(s * SL, SL)])

    plsc.subcore_barrier()

    if True:
        q = c
        lo = q * QH

        def zero_c(k, _):
            pltpu.sync_copy(zbuf, C_sh.at[pl.ds(s * TW + k * ZB, ZB)])
            return 0
        lax.fori_loop(0, NZC, zero_c, 0)

        @pl.when(s == 0)
        def _():
            pltpu.sync_copy(zbuf.at[pl.ds(0, DUMP)],
                            C_sh.at[pl.ds(QHW, DUMP)])

        plsc.subcore_barrier()

        def edge_chunk(j, _):
            off = s * ES + j * K
            pltpu.sync_copy(src_hbm.at[pl.ds(off, K)], srcb)
            pltpu.sync_copy(dst_hbm.at[pl.ds(off, K)], dstb)
            pltpu.sync_copy(cx_sh.at[srcb], cxg)

            def group(g, _):
                dvec = dstb[pl.ds(g * 16, 16)]
                v = cxg[pl.ds(g * 16, 16)]
                xi = (v * 0.5).astype(jnp.int32)
                dval = v - 2.0 * xi.astype(jnp.float32)
                loc = dvec - lo
                inh = (loc >= 0) & (loc < QH)
                dmp = QHW + (dvec & 1023)
                idxb[pl.ds(g * 16, 16)] = jnp.where(inh, loc * D + xi, dmp)
                valb[pl.ds(g * 16, 16)] = dval
                return 0
            lax.fori_loop(0, K // 16, group, 0)

            pltpu.sync_copy(valb, C_sh.at[idxb], add=True)
            return 0
        lax.fori_loop(0, NCH, edge_chunk, 0)

        plsc.subcore_barrier()

        def drain(k, _):
            loc_off = s * TW + k * ZB
            pltpu.sync_copy(C_sh.at[pl.ds(loc_off, ZB)], drainb)
            pltpu.sync_copy(drainb, c_hbm.at[pl.ds(q * QHW + loc_off, ZB)])
            return 0
        lax.fori_loop(0, NZC, drain, 0)


def _tc_body(c_ref, dv_ref, x_ref, b_ref, wg_ref, bg_ref, wo_ref, out_ref,
             acc_ref):
    i = pl.program_id(0)
    cb = c_ref[...]
    dv = dv_ref[...]
    xb = x_ref[...]
    bb = b_ref[...]
    wgb = wg_ref[...].astype(jnp.bfloat16)
    ohx = jnp.where(
        lax.broadcasted_iota(jnp.int32, (BLK, D), 1) == xb, 1.0, 0.0)
    m = cb + dv * ohx
    mb = m.astype(jnp.bfloat16)
    mrb = (m - mb.astype(jnp.float32)).astype(jnp.bfloat16)
    dn = (((1,), (0,)), ((), ()))
    p = (lax.dot_general(mb, wgb, dn, preferred_element_type=jnp.float32)
         + lax.dot_general(mrb, wgb, dn, preferred_element_type=jnp.float32))
    h = jnp.tanh(dv * p + bg_ref[...])
    rows = lax.broadcasted_iota(jnp.int32, (BLK, 1), 0) + i * BLK
    h = jnp.where(rows < N, h, 0.0)
    ohb = (lax.broadcasted_iota(jnp.int32, (BLK, G), 1) == bb).astype(
        jnp.bfloat16)
    hb = h.astype(jnp.bfloat16)
    hrb = (h - hb.astype(jnp.float32)).astype(jnp.bfloat16)
    dp = (((0,), (0,)), ((), ()))
    contrib = (lax.dot_general(ohb, hb, dp,
                               preferred_element_type=jnp.float32)
               + lax.dot_general(ohb, hrb, dp,
                                 preferred_element_type=jnp.float32))

    @pl.when(i == 0)
    def _():
        acc_ref[...] = jnp.zeros((G, EMB), jnp.float32)

    acc_ref[...] += contrib

    @pl.when(i == NBLK - 1)
    def _():
        pb = acc_ref[...].astype(jnp.bfloat16)
        wob = wo_ref[...].astype(jnp.bfloat16)
        out_ref[...] = lax.dot_general(
            wob, pb, (((0,), (1,)), ((), ())),
            preferred_element_type=jnp.float32)


_tc_call = pl.pallas_call(
    _tc_body,
    grid=(NBLK,),
    in_specs=[
        pl.BlockSpec((BLK, D), lambda i: (i, 0)),
        pl.BlockSpec((BLK, 1), lambda i: (i, 0)),
        pl.BlockSpec((BLK, 1), lambda i: (i, 0)),
        pl.BlockSpec((BLK, 1), lambda i: (i, 0)),
        pl.BlockSpec((D, EMB), lambda i: (0, 0)),
        pl.BlockSpec((1, EMB), lambda i: (0, 0)),
        pl.BlockSpec((EMB, 1), lambda i: (0, 0)),
    ],
    out_specs=pl.BlockSpec((1, G), lambda i: (0, 0)),
    out_shape=jax.ShapeDtypeStruct((1, G), jnp.float32),
    scratch_shapes=[pltpu.VMEM((G, EMB), jnp.float32)],
)


def kernel(x, edge_index, batch_index, W_gcn, b_gcn, W_out, b_out):
    src = edge_index[0]
    dst = edge_index[1]
    pad = NP - N
    xpad = jnp.concatenate([x, jnp.zeros((pad,), jnp.int32)])
    dinv, cflat = _sc_scatter(xpad, src, dst)
    c2 = cflat.reshape(NP, D)
    b2 = jnp.concatenate(
        [batch_index, jnp.zeros((pad,), jnp.int32)]).reshape(NP, 1)
    acc = _tc_call(c2, dinv.reshape(NP, 1), xpad.reshape(NP, 1), b2,
                   W_gcn, b_gcn.reshape(1, EMB), W_out)
    return acc.reshape(G, 1) + b_out

# --- scband reference (transcript-rebuilt; emitter-appended) ---
"""Pipeline reference for scband-gcn-77077483094029 (READ-ONLY COPY).

The authoritative reference and input builder live on the scoring server;
editing this copy changes nothing except your own understanding.
"""

import jax, jax.numpy as jnp
import numpy as np

N = 50000
E = 800000
INPUT_DIM = 65
EMB = 32
NUM_GRAPHS = 1024


def setup_inputs(seed: int = 0) -> dict:
    key = jax.random.key(seed)
    ks = jax.random.split(key, 6)
    x = jax.random.randint(ks[0], (N,), 0, INPUT_DIM, dtype=jnp.int32)
    edge_index = jax.random.randint(ks[1], (2, E), 0, N, dtype=jnp.int32)
    batch_index = jnp.sort(jax.random.randint(ks[2], (N,), 0, NUM_GRAPHS, dtype=jnp.int32))
    W_gcn = jax.random.normal(ks[3], (INPUT_DIM, EMB), dtype=jnp.float32) * 0.1
    b_gcn = jnp.zeros((EMB,), dtype=jnp.float32)
    W_out = jax.random.normal(ks[4], (EMB, 1), dtype=jnp.float32) * 0.1
    b_out = jnp.zeros((1,), dtype=jnp.float32)
    return {"x": x, "edge_index": edge_index, "batch_index": batch_index,
            "W_gcn": W_gcn, "b_gcn": b_gcn, "W_out": W_out, "b_out": b_out}


def reference(x, edge_index, batch_index, W_gcn, b_gcn, W_out, b_out):
    n = x.shape[0]
    # one-hot encode atom indices (module hard-codes input_dim = len(data.atoms()))
    xh = jax.nn.one_hot(x, INPUT_DIM, dtype=jnp.float32)
    # GCNConv: add self-loops, symmetric degree normalization
    loop = jnp.arange(n, dtype=edge_index.dtype)
    src = jnp.concatenate([edge_index[0], loop])
    dst = jnp.concatenate([edge_index[1], loop])
    deg = jnp.zeros((n,), jnp.float32).at[dst].add(1.0)
    deg_inv_sqrt = jnp.where(deg > 0, jax.lax.rsqrt(jnp.maximum(deg, 1e-12)), 0.0)
    norm = deg_inv_sqrt[src] * deg_inv_sqrt[dst]
    xw = xh @ W_gcn
    msg = jnp.take(xw, src, axis=0) * norm[:, None]
    agg = jnp.zeros((n, EMB), jnp.float32).at[dst].add(msg) + b_gcn
    h = jnp.tanh(agg)
    pooled = jax.ops.segment_sum(h, batch_index, num_segments=NUM_GRAPHS)
    return pooled @ W_out + b_out

if __name__ == "__main__":
    import jax
    _d = setup_inputs()
    print(jax.jit(kernel)(*tuple(_d.values())))

</pallas_src>

<mosaic_0001>
#map = affine_map<(d0, d1) -> (0)>
module attributes {stable_mosaic.version = 14 : i64} {
  func.func @_sc_scatter(%arg0: i32, %arg1: i32, %arg2: memref<50176xi32, #tpu.memory_space<hbm>>, %arg3: memref<800000xi32, #tpu.memory_space<hbm>>, %arg4: memref<800000xi32, #tpu.memory_space<hbm>>, %arg5: memref<50176xf32, #tpu.memory_space<hbm>>, %arg6: memref<3261440xf32, #tpu.memory_space<hbm>>, %arg7: memref<2000xf32, #tpu.memory_space<vmem>>, %arg8: memref<2000xi32, #tpu.memory_space<vmem>>, %arg9: memref<2000xi32, #tpu.memory_space<vmem>>, %arg10: memref<2000xi32, #tpu.memory_space<vmem>>, %arg11: memref<2000xf32, #tpu.memory_space<vmem>>, %arg12: memref<3136xf32, #tpu.memory_space<vmem>>, %arg13: memref<3920xf32, #tpu.memory_space<vmem>>, %arg14: memref<3920xf32, #tpu.memory_space<vmem>>, %arg15: memref<50176xf32, #tpu.memory_space<vmem_shared>>, %arg16: memref<50176xf32, #tpu.memory_space<vmem_shared>>, %arg17: memref<1632000xf32, #tpu.memory_space<vmem_shared>>) attributes {dimension_semantics = [#tpu.dimension_semantics<core_parallel>, #tpu.dimension_semantics<subcore_parallel>], iteration_bounds = array<i64: 2, 16>, scalar_prefetch = 0 : i64, scratch_operands = 11 : i64, tpu.core_type = #tpu.core_type<sc_vector_subcore>, window_params = [{transform_indices = #map}, {transform_indices = #map}, {transform_indices = #map}, {transform_indices = #map}, {transform_indices = #map}]} {
    %scan3A = arith.constant 0 : i32
    %scan3A_0 = arith.constant 0 : i32
    %scan3A_1 = arith.constant 196 : i32
    %scan3A_2 = arith.addi %scan3A_0, %scan3A_1 : i32
    %scan3A_3 = arith.constant 1 : i32
    %scan3A_4 = scf.for %scan3A_87 = %scan3A_0 to %scan3A_2 step %scan3A_3 iter_args(%scan3A_88 = %scan3A) -> (i32)  : i32 {
      %broadcast_in_dim3A = arith.constant 1.000000e+00 : f32
      %broadcast_in_dim3A_89 = vector.broadcast %broadcast_in_dim3A : f32 to vector<16xf32>
      %mul3A_90 = arith.constant 16 : i32
      %mul3A_91 = arith.muli %scan3A_87, %mul3A_90 : i32
      %swap3A = arith.index_cast %mul3A_91 : i32 to index
      %swap3A_92 = tpu.vector_load %arg12[%swap3A] {strides = array<i32>} : memref<3136xf32, #tpu.memory_space<vmem>>, vector<16xf32>,
      tpu.vector_store %arg12[%swap3A], %broadcast_in_dim3A_89 {strides = array<i32>} : memref<3136xf32, #tpu.memory_space<vmem>>, vector<16xf32>,
      %scan3A_93 = arith.constant 0 : i32
      scf.yield %scan3A_93 : i32
    }
    %scan3A_5 = arith.constant 196 : i32
    %scan3A_6 = arith.constant 0 : i32
    %scan3A_7 = arith.constant 0 : i32
    %scan3A_8 = arith.constant 245 : i32
    %scan3A_9 = arith.addi %scan3A_7, %scan3A_8 : i32
    %scan3A_10 = arith.constant 1 : i32
    %scan3A_11 = scf.for %scan3A_87 = %scan3A_7 to %scan3A_9 step %scan3A_10 iter_args(%scan3A_88 = %scan3A_6) -> (i32)  : i32 {
      %broadcast_in_dim3A = arith.constant 0.000000e+00 : f32
      %broadcast_in_dim3A_89 = vector.broadcast %broadcast_in_dim3A : f32 to vector<16xf32>
      %mul3A_90 = arith.constant 16 : i32
      %mul3A_91 = arith.muli %scan3A_87, %mul3A_90 : i32
      %swap3A = arith.index_cast %mul3A_91 : i32 to index
      %swap3A_92 = tpu.vector_load %arg13[%swap3A] {strides = array<i32>} : memref<3920xf32, #tpu.memory_space<vmem>>, vector<16xf32>,
      tpu.vector_store %arg13[%swap3A], %broadcast_in_dim3A_89 {strides = array<i32>} : memref<3920xf32, #tpu.memory_space<vmem>>, vector<16xf32>,
      %scan3A_93 = arith.constant 0 : i32
      scf.yield %scan3A_93 : i32
    }
    %scan3A_12 = arith.constant 245 : i32
    %mul3A = arith.constant 3136 : i32
    %mul3A_13 = arith.muli %arg1, %mul3A : i32
    "tpu.region"() ({
      %run_scoped3A = tpu.sem_alloc : memref<!tpu.dma_semaphore, #tpu.memory_space<semaphore_mem>>
      %dma_start3A = tpu.memref_slice %arg15[%mul3A_13] : memref<50176xf32, #tpu.memory_space<vmem_shared>> -> memref<3136xf32, #tpu.memory_space<vmem_shared>>
      %dma_start3A_87 = tpu.memref_slice %arg15[%mul3A_13] : memref<50176xf32, #tpu.memory_space<vmem_shared>> -> memref<3136xf32, #tpu.memory_space<vmem_shared>>
      tpu.enqueue_dma source(%arg12 : memref<3136xf32, #tpu.memory_space<vmem>>) target(%dma_start3A_87 : memref<3136xf32, #tpu.memory_space<vmem_shared>>) target_semaphore(%run_scoped3A : memref<!tpu.dma_semaphore, #tpu.memory_space<semaphore_mem>>)
      %dma_wait3A = tpu.memref_slice %arg15[%mul3A_13] : memref<50176xf32, #tpu.memory_space<vmem_shared>> -> memref<3136xf32, #tpu.memory_space<vmem_shared>>
      %dma_wait3A_88 = tpu.memref_slice %arg15[%mul3A_13] : memref<50176xf32, #tpu.memory_space<vmem_shared>> -> memref<3136xf32, #tpu.memory_space<vmem_shared>>
      tpu.wait_dma2 semaphore(%run_scoped3A : memref<!tpu.dma_semaphore, #tpu.memory_space<semaphore_mem>>) src(%arg12 : memref<3136xf32, #tpu.memory_space<vmem>>) dst(%dma_wait3A_88 : memref<3136xf32, #tpu.memory_space<vmem_shared>>)
      tpu.yield
    }) : () -> ()
    %barrier3A = arith.constant 0 : index
    tpu.barrier barrier_id(%barrier3A)
    %scan3A_14 = arith.constant 0 : i32
    %scan3A_15 = arith.constant 0 : i32
    %scan3A_16 = arith.constant 25 : i32
    %scan3A_17 = arith.addi %scan3A_15, %scan3A_16 : i32
    %scan3A_18 = arith.constant 1 : i32
    %scan3A_19 = scf.for %scan3A_87 = %scan3A_15 to %scan3A_17 step %scan3A_18 iter_args(%scan3A_88 = %scan3A_14) -> (i32)  : i32 {
      %mul3A_89 = arith.constant 50000 : i32
      %mul3A_90 = arith.muli %arg1, %mul3A_89 : i32
      %mul3A_91 = arith.constant 2000 : i32
      %mul3A_92 = arith.muli %scan3A_87, %mul3A_91 : i32
      %add3A_93 = arith.addi %mul3A_90, %mul3A_92 : i32
      "tpu.region"() ({
        %run_scoped3A = tpu.sem_alloc : memref<!tpu.dma_semaphore, #tpu.memory_space<semaphore_mem>>
        %dma_start3A = tpu.memref_slice %arg4[%add3A_93] : memref<800000xi32, #tpu.memory_space<hbm>> -> memref<2000xi32, #tpu.memory_space<hbm>>
        %dma_start3A_95 = tpu.memref_slice %arg4[%add3A_93] : memref<800000xi32, #tpu.memory_space<hbm>> -> memref<2000xi32, #tpu.memory_space<hbm>>
        tpu.enqueue_dma source(%dma_start3A_95 : memref<2000xi32, #tpu.memory_space<hbm>>) target(%arg9 : memref<2000xi32, #tpu.memory_space<vmem>>) target_semaphore(%run_scoped3A : memref<!tpu.dma_semaphore, #tpu.memory_space<semaphore_mem>>)
        %dma_wait3A = tpu.memref_slice %arg4[%add3A_93] : memref<800000xi32, #tpu.memory_space<hbm>> -> memref<2000xi32, #tpu.memory_space<hbm>>
        %dma_wait3A_96 = tpu.memref_slice %arg4[%add3A_93] : memref<800000xi32, #tpu.memory_space<hbm>> -> memref<2000xi32, #tpu.memory_space<hbm>>
        tpu.wait_dma2 semaphore(%run_scoped3A : memref<!tpu.dma_semaphore, #tpu.memory_space<semaphore_mem>>) src(%dma_wait3A_96 : memref<2000xi32, #tpu.memory_space<hbm>>) dst(%arg9 : memref<2000xi32, #tpu.memory_space<vmem>>)
        tpu.yield
      }) : () -> ()
      "tpu.region"() ({
        %run_scoped3A = tpu.sem_alloc : memref<!tpu.dma_semaphore, #tpu.memory_space<semaphore_mem>>
        %dma_start3A = arith.constant 0 : i32
        %dma_start3A_95 = tpu.memref_slice %arg12[%dma_start3A] : memref<3136xf32, #tpu.memory_space<vmem>> -> memref<2000xf32, #tpu.memory_space<vmem>>
        %dma_start3A_96 = arith.constant 0 : i32
        %dma_start3A_97 = tpu.memref_slice %arg15[%dma_start3A_96] : memref<50176xf32, #tpu.memory_space<vmem_shared>> -> memref<50176xf32, #tpu.memory_space<vmem_shared>>
        tpu.enqueue_indirect_dma source(%dma_start3A_95 : memref<2000xf32, #tpu.memory_space<vmem>>) target(%dma_start3A_97 : memref<50176xf32, #tpu.memory_space<vmem_shared>>) offsets(%arg9 : memref<2000xi32, #tpu.memory_space<vmem>>) semaphore(%run_scoped3A : memref<!tpu.dma_semaphore, #tpu.memory_space<semaphore_mem>>) {add = true}
        %dma_wait3A = arith.constant 0 : i32
        %dma_wait3A_98 = tpu.memref_slice %arg12[%dma_wait3A] : memref<3136xf32, #tpu.memory_space<vmem>> -> memref<2000xf32, #tpu.memory_space<vmem>>
        %dma_wait3A_99 = arith.constant 0 : i32
        %dma_wait3A_100 = tpu.memref_slice %arg15[%dma_wait3A_99] : memref<50176xf32, #tpu.memory_space<vmem_shared>> -> memref<50176xf32, #tpu.memory_space<vmem_shared>>
        tpu.wait_indirect_dma semaphore(%run_scoped3A : memref<!tpu.dma_semaphore, #tpu.memory_space<semaphore_mem>>) src(%dma_wait3A_98 : memref<2000xf32, #tpu.memory_space<vmem>>) dst(%dma_wait3A_100 : memref<50176xf32, #tpu.memory_space<vmem_shared>>)
        tpu.yield
      }) : () -> ()
      %scan3A_94 = arith.constant 0 : i32
      scf.yield %scan3A_94 : i32
    }
    %scan3A_20 = arith.constant 25 : i32
    %barrier3A_21 = arith.constant 0 : index
    tpu.barrier barrier_id(%barrier3A_21)
    %mul3A_22 = arith.constant 3136 : i32
    %mul3A_23 = arith.muli %arg1, %mul3A_22 : i32
    "tpu.region"() ({
      %run_scoped3A = tpu.sem_alloc : memref<!tpu.dma_semaphore, #tpu.memory_space<semaphore_mem>>
      %dma_start3A = tpu.memref_slice %arg15[%mul3A_23] : memref<50176xf32, #tpu.memory_space<vmem_shared>> -> memref<3136xf32, #tpu.memory_space<vmem_shared>>
      %dma_start3A_87 = tpu.memref_slice %arg15[%mul3A_23] : memref<50176xf32, #tpu.memory_space<vmem_shared>> -> memref<3136xf32, #tpu.memory_space<vmem_shared>>
      tpu.enqueue_dma source(%dma_start3A_87 : memref<3136xf32, #tpu.memory_space<vmem_shared>>) target(%arg12 : memref<3136xf32, #tpu.memory_space<vmem>>) target_semaphore(%run_scoped3A : memref<!tpu.dma_semaphore, #tpu.memory_space<semaphore_mem>>)
      %dma_wait3A = tpu.memref_slice %arg15[%mul3A_23] : memref<50176xf32, #tpu.memory_space<vmem_shared>> -> memref<3136xf32, #tpu.memory_space<vmem_shared>>
      %dma_wait3A_88 = tpu.memref_slice %arg15[%mul3A_23] : memref<50176xf32, #tpu.memory_space<vmem_shared>> -> memref<3136xf32, #tpu.memory_space<vmem_shared>>
      tpu.wait_dma2 semaphore(%run_scoped3A : memref<!tpu.dma_semaphore, #tpu.memory_space<semaphore_mem>>) src(%dma_wait3A_88 : memref<3136xf32, #tpu.memory_space<vmem_shared>>) dst(%arg12 : memref<3136xf32, #tpu.memory_space<vmem>>)
      tpu.yield
    }) : () -> ()
    %scan3A_24 = arith.constant 0 : i32
    %scan3A_25 = arith.constant 0 : i32
    %scan3A_26 = arith.constant 196 : i32
    %scan3A_27 = arith.addi %scan3A_25, %scan3A_26 : i32
    %scan3A_28 = arith.constant 1 : i32
    %scan3A_29 = scf.for %scan3A_87 = %scan3A_25 to %scan3A_27 step %scan3A_28 iter_args(%scan3A_88 = %scan3A_24) -> (i32)  : i32 {
      %mul3A_89 = arith.constant 16 : i32
      %mul3A_90 = arith.muli %scan3A_87, %mul3A_89 : i32
      %get3A = arith.index_cast %mul3A_90 : i32 to index
      %get3A_91 = tpu.vector_load %arg12[%get3A] {strides = array<i32>} : memref<3136xf32, #tpu.memory_space<vmem>>, vector<16xf32>,
      %bitcast_convert_type3A = tpu.bitcast %get3A_91 : vector<16xf32> -> vector<16xi32>
      %shift_right_arithmetic3A = arith.constant 1 : i32
      %shift_right_arithmetic3A_92 = vector.broadcast %shift_right_arithmetic3A : i32 to vector<16xi32>
      %shift_right_arithmetic3A_93 = arith.shrsi %bitcast_convert_type3A, %shift_right_arithmetic3A_92 : vector<16xi32>
      %sub3A = arith.constant 1597463007 : i32
      %sub3A_94 = vector.broadcast %sub3A : i32 to vector<16xi32>
      %sub3A_95 = arith.subi %sub3A_94, %shift_right_arithmetic3A_93 : vector<16xi32>
      %bitcast_convert_type3A_96 = tpu.bitcast %sub3A_95 : vector<16xi32> -> vector<16xf32>
      %mul3A_97 = arith.constant 5.000000e-01 : f32
      %mul3A_98 = vector.broadcast %mul3A_97 : f32 to vector<16xf32>
      %mul3A_99 = arith.mulf %mul3A_98, %get3A_91 : vector<16xf32>
      %mul3A_100 = arith.mulf %mul3A_99, %bitcast_convert_type3A_96 : vector<16xf32>
      %mul3A_101 = arith.mulf %mul3A_100, %bitcast_convert_type3A_96 : vector<16xf32>
      %sub3A_102 = arith.constant 1.500000e+00 : f32
      %sub3A_103 = vector.broadcast %sub3A_102 : f32 to vector<16xf32>
      %sub3A_104 = arith.subf %sub3A_103, %mul3A_101 : vector<16xf32>
      %mul3A_105 = arith.mulf %bitcast_convert_type3A_96, %sub3A_104 : vector<16xf32>
      %mul3A_106 = arith.constant 5.000000e-01 : f32
      %mul3A_107 = vector.broadcast %mul3A_106 : f32 to vector<16xf32>
      %mul3A_108 = arith.mulf %mul3A_107, %get3A_91 : vector<16xf32>
      %mul3A_109 = arith.mulf %mul3A_108, %mul3A_105 : vector<16xf32>
      %mul3A_110 = arith.mulf %mul3A_109, %mul3A_105 : vector<16xf32>
      %sub3A_111 = arith.constant 1.500000e+00 : f32
      %sub3A_112 = vector.broadcast %sub3A_111 : f32 to vector<16xf32>
      %sub3A_113 = arith.subf %sub3A_112, %mul3A_110 : vector<16xf32>
      %mul3A_114 = arith.mulf %mul3A_105, %sub3A_113 : vector<16xf32>
      %mul3A_115 = arith.constant 5.000000e-01 : f32
      %mul3A_116 = vector.broadcast %mul3A_115 : f32 to vector<16xf32>
      %mul3A_117 = arith.mulf %mul3A_116, %get3A_91 : vector<16xf32>
      %mul3A_118 = arith.mulf %mul3A_117, %mul3A_114 : vector<16xf32>
      %mul3A_119 = arith.mulf %mul3A_118, %mul3A_114 : vector<16xf32>
      %sub3A_120 = arith.constant 1.500000e+00 : f32
      %sub3A_121 = vector.broadcast %sub3A_120 : f32 to vector<16xf32>
      %sub3A_122 = arith.subf %sub3A_121, %mul3A_119 : vector<16xf32>
      %mul3A_123 = arith.mulf %mul3A_114, %sub3A_122 : vector<16xf32>
      %mul3A_124 = arith.constant 16 : i32
      %mul3A_125 = arith.muli %scan3A_87, %mul3A_124 : i32
      %swap3A = arith.index_cast %mul3A_125 : i32 to index
      %swap3A_126 = tpu.vector_load %arg12[%swap3A] {strides = array<i32>} : memref<3136xf32, #tpu.memory_space<vmem>>, vector<16xf32>,
      tpu.vector_store %arg12[%swap3A], %mul3A_123 {strides = array<i32>} : memref<3136xf32, #tpu.memory_space<vmem>>, vector<16xf32>,
      %scan3A_127 = arith.constant 0 : i32
      scf.yield %scan3A_127 : i32
    }
    %scan3A_30 = arith.constant 196 : i32
    %eq3A = arith.constant 0 : i32
    %eq3A_31 = arith.cmpi eq, %arg0, %eq3A : i32
    %convert_element_type3A = arith.extui %eq3A_31 : i1 to i32
    %cond3A = arith.constant 0 : i32
    %cond3A_32 = arith.cmpi ne, %convert_element_type3A, %cond3A : i32
    scf.if %cond3A_32 {
      %mul3A_87 = arith.constant 3136 : i32
      %mul3A_88 = arith.muli %arg1, %mul3A_87 : i32
      "tpu.region"() ({
        %run_scoped3A = tpu.sem_alloc : memref<!tpu.dma_semaphore, #tpu.memory_space<semaphore_mem>>
        %dma_start3A = tpu.memref_slice %arg5[%mul3A_88] : memref<50176xf32, #tpu.memory_space<hbm>> -> memref<3136xf32, #tpu.memory_space<hbm>>
        %dma_start3A_89 = tpu.memref_slice %arg5[%mul3A_88] : memref<50176xf32, #tpu.memory_space<hbm>> -> memref<3136xf32, #tpu.memory_space<hbm>>
        tpu.enqueue_dma source(%arg12 : memref<3136xf32, #tpu.memory_space<vmem>>) target(%dma_start3A_89 : memref<3136xf32, #tpu.memory_space<hbm>>) target_semaphore(%run_scoped3A : memref<!tpu.dma_semaphore, #tpu.memory_space<semaphore_mem>>)
        %dma_wait3A = tpu.memref_slice %arg5[%mul3A_88] : memref<50176xf32, #tpu.memory_space<hbm>> -> memref<3136xf32, #tpu.memory_space<hbm>>
        %dma_wait3A_90 = tpu.memref_slice %arg5[%mul3A_88] : memref<50176xf32, #tpu.memory_space<hbm>> -> memref<3136xf32, #tpu.memory_space<hbm>>
        tpu.wait_dma2 semaphore(%run_scoped3A : memref<!tpu.dma_semaphore, #tpu.memory_space<semaphore_mem>>) src(%arg12 : memref<3136xf32, #tpu.memory_space<vmem>>) dst(%dma_wait3A_90 : memref<3136xf32, #tpu.memory_space<hbm>>)
        tpu.yield
      }) : () -> ()
    } else {
    }
    %mul3A_33 = arith.constant 3136 : i32
    %mul3A_34 = arith.muli %arg1, %mul3A_33 : i32
    %add3A = arith.constant 0 : i32
    %add3A_35 = arith.addi %mul3A_34, %add3A : i32
    "tpu.region"() ({
      %run_scoped3A = tpu.sem_alloc : memref<!tpu.dma_semaphore, #tpu.memory_space<semaphore_mem>>
      %dma_start3A = arith.constant 0 : i32
      %dma_start3A_87 = tpu.memref_slice %arg8[%dma_start3A] : memref<2000xi32, #tpu.memory_space<vmem>> -> memref<1568xi32, #tpu.memory_space<vmem>>
      %dma_start3A_88 = tpu.memref_slice %arg2[%add3A_35] : memref<50176xi32, #tpu.memory_space<hbm>> -> memref<1568xi32, #tpu.memory_space<hbm>>
      %dma_start3A_89 = arith.constant 0 : i32
      %dma_start3A_90 = tpu.memref_slice %arg8[%dma_start3A_89] : memref<2000xi32, #tpu.memory_space<vmem>> -> memref<1568xi32, #tpu.memory_space<vmem>>
      %dma_start3A_91 = tpu.memref_slice %arg2[%add3A_35] : memref<50176xi32, #tpu.memory_space<hbm>> -> memref<1568xi32, #tpu.memory_space<hbm>>
      tpu.enqueue_dma source(%dma_start3A_91 : memref<1568xi32, #tpu.memory_space<hbm>>) target(%dma_start3A_90 : memref<1568xi32, #tpu.memory_space<vmem>>) target_semaphore(%run_scoped3A : memref<!tpu.dma_semaphore, #tpu.memory_space<semaphore_mem>>)
      %dma_wait3A = arith.constant 0 : i32
      %dma_wait3A_92 = tpu.memref_slice %arg8[%dma_wait3A] : memref<2000xi32, #tpu.memory_space<vmem>> -> memref<1568xi32, #tpu.memory_space<vmem>>
      %dma_wait3A_93 = tpu.memref_slice %arg2[%add3A_35] : memref<50176xi32, #tpu.memory_space<hbm>> -> memref<1568xi32, #tpu.memory_space<hbm>>
      %dma_wait3A_94 = arith.constant 0 : i32
      %dma_wait3A_95 = tpu.memref_slice %arg8[%dma_wait3A_94] : memref<2000xi32, #tpu.memory_space<vmem>> -> memref<1568xi32, #tpu.memory_space<vmem>>
      %dma_wait3A_96 = tpu.memref_slice %arg2[%add3A_35] : memref<50176xi32, #tpu.memory_space<hbm>> -> memref<1568xi32, #tpu.memory_space<hbm>>
      tpu.wait_dma2 semaphore(%run_scoped3A : memref<!tpu.dma_semaphore, #tpu.memory_space<semaphore_mem>>) src(%dma_wait3A_96 : memref<1568xi32, #tpu.memory_space<hbm>>) dst(%dma_wait3A_95 : memref<1568xi32, #tpu.memory_space<vmem>>)
      tpu.yield
    }) : () -> ()
    %scan3A_36 = arith.constant 0 : i32
    %scan3A_37 = arith.constant 0 : i32
    %scan3A_38 = arith.constant 98 : i32
    %scan3A_39 = arith.addi %scan3A_37, %scan3A_38 : i32
    %scan3A_40 = arith.constant 1 : i32
    %scan3A_41 = scf.for %scan3A_87 = %scan3A_37 to %scan3A_39 step %scan3A_40 iter_args(%scan3A_88 = %scan3A_36) -> (i32)  : i32 {
      %mul3A_89 = arith.constant 16 : i32
      %mul3A_90 = arith.muli %scan3A_87, %mul3A_89 : i32
      %get3A = arith.index_cast %mul3A_90 : i32 to index
      %get3A_91 = tpu.vector_load %arg8[%get3A] {strides = array<i32>} : memref<2000xi32, #tpu.memory_space<vmem>>, vector<16xi32>,
      %mul3A_92 = arith.constant 16 : i32
      %mul3A_93 = arith.muli %scan3A_87, %mul3A_92 : i32
      %add3A_94 = arith.constant 0 : i32
      %add3A_95 = arith.addi %add3A_94, %mul3A_93 : i32
      %get3A_96 = arith.index_cast %add3A_95 : i32 to index
      %get3A_97 = tpu.vector_load %arg12[%get3A_96] {strides = array<i32>} : memref<3136xf32, #tpu.memory_space<vmem>>, vector<16xf32>,
      %convert_element_type3A_98 = arith.sitofp %get3A_91 : vector<16xi32> to vector<16xf32>
      %mul3A_99 = arith.constant 2.000000e+00 : f32
      %mul3A_100 = vector.broadcast %mul3A_99 : f32 to vector<16xf32>
      %mul3A_101 = arith.mulf %mul3A_100, %convert_element_type3A_98 : vector<16xf32>
      %add3A_102 = arith.addf %mul3A_101, %get3A_97 : vector<16xf32>
      %mul3A_103 = arith.constant 16 : i32
      %mul3A_104 = arith.muli %scan3A_87, %mul3A_103 : i32
      %add3A_105 = arith.constant 0 : i32
      %add3A_106 = arith.addi %add3A_105, %mul3A_104 : i32
      %swap3A = arith.index_cast %add3A_106 : i32 to index
      %swap3A_107 = tpu.vector_load %arg12[%swap3A] {strides = array<i32>} : memref<3136xf32, #tpu.memory_space<vmem>>, vector<16xf32>,
      tpu.vector_store %arg12[%swap3A], %add3A_102 {strides = array<i32>} : memref<3136xf32, #tpu.memory_space<vmem>>, vector<16xf32>,
      %scan3A_108 = arith.constant 0 : i32
      scf.yield %scan3A_108 : i32
    }
    %scan3A_42 = arith.constant 98 : i32
    %mul3A_43 = arith.constant 3136 : i32
    %mul3A_44 = arith.muli %arg1, %mul3A_43 : i32
    %add3A_45 = arith.constant 1568 : i32
    %add3A_46 = arith.addi %mul3A_44, %add3A_45 : i32
    "tpu.region"() ({
      %run_scoped3A = tpu.sem_alloc : memref<!tpu.dma_semaphore, #tpu.memory_space<semaphore_mem>>
      %dma_start3A = arith.constant 0 : i32
      %dma_start3A_87 = tpu.memref_slice %arg8[%dma_start3A] : memref<2000xi32, #tpu.memory_space<vmem>> -> memref<1568xi32, #tpu.memory_space<vmem>>
      %dma_start3A_88 = tpu.memref_slice %arg2[%add3A_46] : memref<50176xi32, #tpu.memory_space<hbm>> -> memref<1568xi32, #tpu.memory_space<hbm>>
      %dma_start3A_89 = arith.constant 0 : i32
      %dma_start3A_90 = tpu.memref_slice %arg8[%dma_start3A_89] : memref<2000xi32, #tpu.memory_space<vmem>> -> memref<1568xi32, #tpu.memory_space<vmem>>
      %dma_start3A_91 = tpu.memref_slice %arg2[%add3A_46] : memref<50176xi32, #tpu.memory_space<hbm>> -> memref<1568xi32, #tpu.memory_space<hbm>>
      tpu.enqueue_dma source(%dma_start3A_91 : memref<1568xi32, #tpu.memory_space<hbm>>) target(%dma_start3A_90 : memref<1568xi32, #tpu.memory_space<vmem>>) target_semaphore(%run_scoped3A : memref<!tpu.dma_semaphore, #tpu.memory_space<semaphore_mem>>)
      %dma_wait3A = arith.constant 0 : i32
      %dma_wait3A_92 = tpu.memref_slice %arg8[%dma_wait3A] : memref<2000xi32, #tpu.memory_space<vmem>> -> memref<1568xi32, #tpu.memory_space<vmem>>
      %dma_wait3A_93 = tpu.memref_slice %arg2[%add3A_46] : memref<50176xi32, #tpu.memory_space<hbm>> -> memref<1568xi32, #tpu.memory_space<hbm>>
      %dma_wait3A_94 = arith.constant 0 : i32
      %dma_wait3A_95 = tpu.memref_slice %arg8[%dma_wait3A_94] : memref<2000xi32, #tpu.memory_space<vmem>> -> memref<1568xi32, #tpu.memory_space<vmem>>
      %dma_wait3A_96 = tpu.memref_slice %arg2[%add3A_46] : memref<50176xi32, #tpu.memory_space<hbm>> -> memref<1568xi32, #tpu.memory_space<hbm>>
      tpu.wait_dma2 semaphore(%run_scoped3A : memref<!tpu.dma_semaphore, #tpu.memory_space<semaphore_mem>>) src(%dma_wait3A_96 : memref<1568xi32, #tpu.memory_space<hbm>>) dst(%dma_wait3A_95 : memref<1568xi32, #tpu.memory_space<vmem>>)
      tpu.yield
    }) : () -> ()
    %scan3A_47 = arith.constant 0 : i32
    %scan3A_48 = arith.constant 0 : i32
    %scan3A_49 = arith.constant 98 : i32
    %scan3A_50 = arith.addi %scan3A_48, %scan3A_49 : i32
    %scan3A_51 = arith.constant 1 : i32
    %scan3A_52 = scf.for %scan3A_87 = %scan3A_48 to %scan3A_50 step %scan3A_51 iter_args(%scan3A_88 = %scan3A_47) -> (i32)  : i32 {
      %mul3A_89 = arith.constant 16 : i32
      %mul3A_90 = arith.muli %scan3A_87, %mul3A_89 : i32
      %get3A = arith.index_cast %mul3A_90 : i32 to index
      %get3A_91 = tpu.vector_load %arg8[%get3A] {strides = array<i32>} : memref<2000xi32, #tpu.memory_space<vmem>>, vector<16xi32>,
      %mul3A_92 = arith.constant 16 : i32
      %mul3A_93 = arith.muli %scan3A_87, %mul3A_92 : i32
      %add3A_94 = arith.constant 1568 : i32
      %add3A_95 = arith.addi %add3A_94, %mul3A_93 : i32
      %get3A_96 = arith.index_cast %add3A_95 : i32 to index
      %get3A_97 = tpu.vector_load %arg12[%get3A_96] {strides = array<i32>} : memref<3136xf32, #tpu.memory_space<vmem>>, vector<16xf32>,
      %convert_element_type3A_98 = arith.sitofp %get3A_91 : vector<16xi32> to vector<16xf32>
      %mul3A_99 = arith.constant 2.000000e+00 : f32
      %mul3A_100 = vector.broadcast %mul3A_99 : f32 to vector<16xf32>
      %mul3A_101 = arith.mulf %mul3A_100, %convert_element_type3A_98 : vector<16xf32>
      %add3A_102 = arith.addf %mul3A_101, %get3A_97 : vector<16xf32>
      %mul3A_103 = arith.constant 16 : i32
      %mul3A_104 = arith.muli %scan3A_87, %mul3A_103 : i32
      %add3A_105 = arith.constant 1568 : i32
      %add3A_106 = arith.addi %add3A_105, %mul3A_104 : i32
      %swap3A = arith.index_cast %add3A_106 : i32 to index
      %swap3A_107 = tpu.vector_load %arg12[%swap3A] {strides = array<i32>} : memref<3136xf32, #tpu.memory_space<vmem>>, vector<16xf32>,
      tpu.vector_store %arg12[%swap3A], %add3A_102 {strides = array<i32>} : memref<3136xf32, #tpu.memory_space<vmem>>, vector<16xf32>,
      %scan3A_108 = arith.constant 0 : i32
      scf.yield %scan3A_108 : i32
    }
    %scan3A_53 = arith.constant 98 : i32
    %mul3A_54 = arith.constant 3136 : i32
    %mul3A_55 = arith.muli %arg1, %mul3A_54 : i32
    "tpu.region"() ({
      %run_scoped3A = tpu.sem_alloc : memref<!tpu.dma_semaphore, #tpu.memory_space<semaphore_mem>>
      %dma_start3A = tpu.memref_slice %arg16[%mul3A_55] : memref<50176xf32, #tpu.memory_space<vmem_shared>> -> memref<3136xf32, #tpu.memory_space<vmem_shared>>
      %dma_start3A_87 = tpu.memref_slice %arg16[%mul3A_55] : memref<50176xf32, #tpu.memory_space<vmem_shared>> -> memref<3136xf32, #tpu.memory_space<vmem_shared>>
      tpu.enqueue_dma source(%arg12 : memref<3136xf32, #tpu.memory_space<vmem>>) target(%dma_start3A_87 : memref<3136xf32, #tpu.memory_space<vmem_shared>>) target_semaphore(%run_scoped3A : memref<!tpu.dma_semaphore, #tpu.memory_space<semaphore_mem>>)
      %dma_wait3A = tpu.memref_slice %arg16[%mul3A_55] : memref<50176xf32, #tpu.memory_space<vmem_shared>> -> memref<3136xf32, #tpu.memory_space<vmem_shared>>
      %dma_wait3A_88 = tpu.memref_slice %arg16[%mul3A_55] : memref<50176xf32, #tpu.memory_space<vmem_shared>> -> memref<3136xf32, #tpu.memory_space<vmem_shared>>
      tpu.wait_dma2 semaphore(%run_scoped3A : memref<!tpu.dma_semaphore, #tpu.memory_space<semaphore_mem>>) src(%arg12 : memref<3136xf32, #tpu.memory_space<vmem>>) dst(%dma_wait3A_88 : memref<3136xf32, #tpu.memory_space<vmem_shared>>)
      tpu.yield
    }) : () -> ()
    %barrier3A_56 = arith.constant 0 : index
    tpu.barrier barrier_id(%barrier3A_56)
    %mul3A_57 = arith.constant 25088 : i32
    %mul3A_58 = arith.muli %arg0, %mul3A_57 : i32
    %scan3A_59 = arith.constant 0 : i32
    %scan3A_60 = arith.constant 0 : i32
    %scan3A_61 = arith.constant 26 : i32
    %scan3A_62 = arith.addi %scan3A_60, %scan3A_61 : i32
    %scan3A_63 = arith.constant 1 : i32
    %scan3A_64 = scf.for %scan3A_87 = %scan3A_60 to %scan3A_62 step %scan3A_63 iter_args(%scan3A_88 = %scan3A_59) -> (i32)  : i32 {
      %mul3A_89 = arith.constant 101920 : i32
      %mul3A_90 = arith.muli %arg1, %mul3A_89 : i32
      %mul3A_91 = arith.constant 3920 : i32
      %mul3A_92 = arith.muli %scan3A_87, %mul3A_91 : i32
      %add3A_93 = arith.addi %mul3A_90, %mul3A_92 : i32
      "tpu.region"() ({
        %run_scoped3A = tpu.sem_alloc : memref<!tpu.dma_semaphore, #tpu.memory_space<semaphore_mem>>
        %dma_start3A = tpu.memref_slice %arg17[%add3A_93] : memref<1632000xf32, #tpu.memory_space<vmem_shared>> -> memref<3920xf32, #tpu.memory_space<vmem_shared>>
        %dma_start3A_95 = tpu.memref_slice %arg17[%add3A_93] : memref<1632000xf32, #tpu.memory_space<vmem_shared>> -> memref<3920xf32, #tpu.memory_space<vmem_shared>>
        tpu.enqueue_dma source(%arg13 : memref<3920xf32, #tpu.memory_space<vmem>>) target(%dma_start3A_95 : memref<3920xf32, #tpu.memory_space<vmem_shared>>) target_semaphore(%run_scoped3A : memref<!tpu.dma_semaphore, #tpu.memory_space<semaphore_mem>>)
        %dma_wait3A = tpu.memref_slice %arg17[%add3A_93] : memref<1632000xf32, #tpu.memory_space<vmem_shared>> -> memref<3920xf32, #tpu.memory_space<vmem_shared>>
        %dma_wait3A_96 = tpu.memref_slice %arg17[%add3A_93] : memref<1632000xf32, #tpu.memory_space<vmem_shared>> -> memref<3920xf32, #tpu.memory_space<vmem_shared>>
        tpu.wait_dma2 semaphore(%run_scoped3A : memref<!tpu.dma_semaphore, #tpu.memory_space<semaphore_mem>>) src(%arg13 : memref<3920xf32, #tpu.memory_space<vmem>>) dst(%dma_wait3A_96 : memref<3920xf32, #tpu.memory_space<vmem_shared>>)
        tpu.yield
      }) : () -> ()
      %scan3A_94 = arith.constant 0 : i32
      scf.yield %scan3A_94 : i32
    }
    %scan3A_65 = arith.constant 26 : i32
    %eq3A_66 = arith.constant 0 : i32
    %eq3A_67 = arith.cmpi eq, %arg1, %eq3A_66 : i32
    %convert_element_type3A_68 = arith.extui %eq3A_67 : i1 to i32
    %cond3A_69 = arith.constant 0 : i32
    %cond3A_70 = arith.cmpi ne, %convert_element_type3A_68, %cond3A_69 : i32
    scf.if %cond3A_70 {
      "tpu.region"() ({
        %run_scoped3A = tpu.sem_alloc : memref<!tpu.dma_semaphore, #tpu.memory_space<semaphore_mem>>
        %dma_start3A = arith.constant 0 : i32
        %dma_start3A_87 = tpu.memref_slice %arg13[%dma_start3A] : memref<3920xf32, #tpu.memory_space<vmem>> -> memref<1280xf32, #tpu.memory_space<vmem>>
        %dma_start3A_88 = arith.constant 1630720 : i32
        %dma_start3A_89 = tpu.memref_slice %arg17[%dma_start3A_88] : memref<1632000xf32, #tpu.memory_space<vmem_shared>> -> memref<1280xf32, #tpu.memory_space<vmem_shared>>
        %dma_start3A_90 = arith.constant 1630720 : i32
        %dma_start3A_91 = tpu.memref_slice %arg17[%dma_start3A_90] : memref<1632000xf32, #tpu.memory_space<vmem_shared>> -> memref<1280xf32, #tpu.memory_space<vmem_shared>>
        %dma_start3A_92 = arith.constant 0 : i32
        %dma_start3A_93 = tpu.memref_slice %arg13[%dma_start3A_92] : memref<3920xf32, #tpu.memory_space<vmem>> -> memref<1280xf32, #tpu.memory_space<vmem>>
        tpu.enqueue_dma source(%dma_start3A_93 : memref<1280xf32, #tpu.memory_space<vmem>>) target(%dma_start3A_91 : memref<1280xf32, #tpu.memory_space<vmem_shared>>) target_semaphore(%run_scoped3A : memref<!tpu.dma_semaphore, #tpu.memory_space<semaphore_mem>>)
        %dma_wait3A = arith.constant 0 : i32
        %dma_wait3A_94 = tpu.memref_slice %arg13[%dma_wait3A] : memref<3920xf32, #tpu.memory_space<vmem>> -> memref<1280xf32, #tpu.memory_space<vmem>>
        %dma_wait3A_95 = arith.constant 1630720 : i32
        %dma_wait3A_96 = tpu.memref_slice %arg17[%dma_wait3A_95] : memref<1632000xf32, #tpu.memory_space<vmem_shared>> -> memref<1280xf32, #tpu.memory_space<vmem_shared>>
        %dma_wait3A_97 = arith.constant 1630720 : i32
        %dma_wait3A_98 = tpu.memref_slice %arg17[%dma_wait3A_97] : memref<1632000xf32, #tpu.memory_space<vmem_shared>> -> memref<1280xf32, #tpu.memory_space<vmem_shared>>
        %dma_wait3A_99 = arith.constant 0 : i32
        %dma_wait3A_100 = tpu.memref_slice %arg13[%dma_wait3A_99] : memref<3920xf32, #tpu.memory_space<vmem>> -> memref<1280xf32, #tpu.memory_space<vmem>>
        tpu.wait_dma2 semaphore(%run_scoped3A : memref<!tpu.dma_semaphore, #tpu.memory_space<semaphore_mem>>) src(%dma_wait3A_100 : memref<1280xf32, #tpu.memory_space<vmem>>) dst(%dma_wait3A_98 : memref<1280xf32, #tpu.memory_space<vmem_shared>>)
        tpu.yield
      }) : () -> ()
    } else {
    }
    %barrier3A_71 = arith.constant 0 : index
    tpu.barrier barrier_id(%barrier3A_71)
    %scan3A_72 = arith.constant 0 : i32
    %scan3A_73 = arith.constant 0 : i32
    %scan3A_74 = arith.constant 25 : i32
    %scan3A_75 = arith.addi %scan3A_73, %scan3A_74 : i32
    %scan3A_76 = arith.constant 1 : i32
    %scan3A_77 = scf.for %scan3A_87 = %scan3A_73 to %scan3A_75 step %scan3A_76 iter_args(%scan3A_88 = %scan3A_72) -> (i32)  : i32 {
      %mul3A_89 = arith.constant 50000 : i32
      %mul3A_90 = arith.muli %arg1, %mul3A_89 : i32
      %mul3A_91 = arith.constant 2000 : i32
      %mul3A_92 = arith.muli %scan3A_87, %mul3A_91 : i32
      %add3A_93 = arith.addi %mul3A_90, %mul3A_92 : i32
      "tpu.region"() ({
        %run_scoped3A = tpu.sem_alloc : memref<!tpu.dma_semaphore, #tpu.memory_space<semaphore_mem>>
        %dma_start3A = tpu.memref_slice %arg3[%add3A_93] : memref<800000xi32, #tpu.memory_space<hbm>> -> memref<2000xi32, #tpu.memory_space<hbm>>
        %dma_start3A_102 = tpu.memref_slice %arg3[%add3A_93] : memref<800000xi32, #tpu.memory_space<hbm>> -> memref<2000xi32, #tpu.memory_space<hbm>>
        tpu.enqueue_dma source(%dma_start3A_102 : memref<2000xi32, #tpu.memory_space<hbm>>) target(%arg8 : memref<2000xi32, #tpu.memory_space<vmem>>) target_semaphore(%run_scoped3A : memref<!tpu.dma_semaphore, #tpu.memory_space<semaphore_mem>>)
        %dma_wait3A = tpu.memref_slice %arg3[%add3A_93] : memref<800000xi32, #tpu.memory_space<hbm>> -> memref<2000xi32, #tpu.memory_space<hbm>>
        %dma_wait3A_103 = tpu.memref_slice %arg3[%add3A_93] : memref<800000xi32, #tpu.memory_space<hbm>> -> memref<2000xi32, #tpu.memory_space<hbm>>
        tpu.wait_dma2 semaphore(%run_scoped3A : memref<!tpu.dma_semaphore, #tpu.memory_space<semaphore_mem>>) src(%dma_wait3A_103 : memref<2000xi32, #tpu.memory_space<hbm>>) dst(%arg8 : memref<2000xi32, #tpu.memory_space<vmem>>)
        tpu.yield
      }) : () -> ()
      "tpu.region"() ({
        %run_scoped3A = tpu.sem_alloc : memref<!tpu.dma_semaphore, #tpu.memory_space<semaphore_mem>>
        %dma_start3A = tpu.memref_slice %arg4[%add3A_93] : memref<800000xi32, #tpu.memory_space<hbm>> -> memref<2000xi32, #tpu.memory_space<hbm>>
        %dma_start3A_102 = tpu.memref_slice %arg4[%add3A_93] : memref<800000xi32, #tpu.memory_space<hbm>> -> memref<2000xi32, #tpu.memory_space<hbm>>
        tpu.enqueue_dma source(%dma_start3A_102 : memref<2000xi32, #tpu.memory_space<hbm>>) target(%arg9 : memref<2000xi32, #tpu.memory_space<vmem>>) target_semaphore(%run_scoped3A : memref<!tpu.dma_semaphore, #tpu.memory_space<semaphore_mem>>)
        %dma_wait3A = tpu.memref_slice %arg4[%add3A_93] : memref<800000xi32, #tpu.memory_space<hbm>> -> memref<2000xi32, #tpu.memory_space<hbm>>
        %dma_wait3A_103 = tpu.memref_slice %arg4[%add3A_93] : memref<800000xi32, #tpu.memory_space<hbm>> -> memref<2000xi32, #tpu.memory_space<hbm>>
        tpu.wait_dma2 semaphore(%run_scoped3A : memref<!tpu.dma_semaphore, #tpu.memory_space<semaphore_mem>>) src(%dma_wait3A_103 : memref<2000xi32, #tpu.memory_space<hbm>>) dst(%arg9 : memref<2000xi32, #tpu.memory_space<vmem>>)
        tpu.yield
      }) : () -> ()
      "tpu.region"() ({
        %run_scoped3A = tpu.sem_alloc : memref<!tpu.dma_semaphore, #tpu.memory_space<semaphore_mem>>
        %dma_start3A = arith.constant 0 : i32
        %dma_start3A_102 = tpu.memref_slice %arg16[%dma_start3A] : memref<50176xf32, #tpu.memory_space<vmem_shared>> -> memref<50176xf32, #tpu.memory_space<vmem_shared>>
        tpu.enqueue_indirect_dma source(%dma_start3A_102 : memref<50176xf32, #tpu.memory_space<vmem_shared>>) target(%arg7 : memref<2000xf32, #tpu.memory_space<vmem>>) offsets(%arg8 : memref<2000xi32, #tpu.memory_space<vmem>>) semaphore(%run_scoped3A : memref<!tpu.dma_semaphore, #tpu.memory_space<semaphore_mem>>)
        %dma_wait3A = arith.constant 0 : i32
        %dma_wait3A_103 = tpu.memref_slice %arg16[%dma_wait3A] : memref<50176xf32, #tpu.memory_space<vmem_shared>> -> memref<50176xf32, #tpu.memory_space<vmem_shared>>
        tpu.wait_indirect_dma semaphore(%run_scoped3A : memref<!tpu.dma_semaphore, #tpu.memory_space<semaphore_mem>>) src(%dma_wait3A_103 : memref<50176xf32, #tpu.memory_space<vmem_shared>>) dst(%arg7 : memref<2000xf32, #tpu.memory_space<vmem>>)
        tpu.yield
      }) : () -> ()
      %scan3A_94 = arith.constant 0 : i32
      %scan3A_95 = arith.constant 0 : i32
      %scan3A_96 = arith.constant 125 : i32
      %scan3A_97 = arith.addi %scan3A_95, %scan3A_96 : i32
      %scan3A_98 = arith.constant 1 : i32
      %scan3A_99 = scf.for %scan3A_102 = %scan3A_95 to %scan3A_97 step %scan3A_98 iter_args(%scan3A_103 = %scan3A_94) -> (i32)  : i32 {
        %mul3A_104 = arith.constant 16 : i32
        %mul3A_105 = arith.muli %scan3A_102, %mul3A_104 : i32
        %get3A = arith.index_cast %mul3A_105 : i32 to index
        %get3A_106 = tpu.vector_load %arg9[%get3A] {strides = array<i32>} : memref<2000xi32, #tpu.memory_space<vmem>>, vector<16xi32>,
        %mul3A_107 = arith.constant 16 : i32
        %mul3A_108 = arith.muli %scan3A_102, %mul3A_107 : i32
        %get3A_109 = arith.index_cast %mul3A_108 : i32 to index
        %get3A_110 = tpu.vector_load %arg7[%get3A_109] {strides = array<i32>} : memref<2000xf32, #tpu.memory_space<vmem>>, vector<16xf32>,
        %mul3A_111 = arith.constant 5.000000e-01 : f32
        %mul3A_112 = vector.broadcast %mul3A_111 : f32 to vector<16xf32>
        %mul3A_113 = arith.mulf %get3A_110, %mul3A_112 : vector<16xf32>
        %convert_element_type3A_114 = arith.fptosi %mul3A_113 : vector<16xf32> to vector<16xi32>
        %convert_element_type3A_115 = arith.sitofp %convert_element_type3A_114 : vector<16xi32> to vector<16xf32>
        %mul3A_116 = arith.constant 2.000000e+00 : f32
        %mul3A_117 = vector.broadcast %mul3A_116 : f32 to vector<16xf32>
        %mul3A_118 = arith.mulf %mul3A_117, %convert_element_type3A_115 : vector<16xf32>
        %sub3A = arith.subf %get3A_110, %mul3A_118 : vector<16xf32>
        %sub3A_119 = vector.broadcast %mul3A_58 : i32 to vector<16xi32>
        %sub3A_120 = arith.subi %get3A_106, %sub3A_119 : vector<16xi32>
        %ge3A = arith.constant 0 : i32
        %ge3A_121 = vector.broadcast %ge3A : i32 to vector<16xi32>
        %ge3A_122 = arith.cmpi sge, %sub3A_120, %ge3A_121 : vector<16xi32>
        %lt3A = arith.constant 25088 : i32
        %lt3A_123 = vector.broadcast %lt3A : i32 to vector<16xi32>
        %lt3A_124 = arith.cmpi slt, %sub3A_120, %lt3A_123 : vector<16xi32>
        %and3A = arith.andi %ge3A_122, %lt3A_124 : vector<16xi1>
        %and3A_125 = arith.constant 1023 : i32
        %and3A_126 = vector.broadcast %and3A_125 : i32 to vector<16xi32>
        %and3A_127 = arith.andi %get3A_106, %and3A_126 : vector<16xi32>
        %add3A_128 = arith.constant 1630720 : i32
        %add3A_129 = vector.broadcast %add3A_128 : i32 to vector<16xi32>
        %add3A_130 = arith.addi %add3A_129, %and3A_127 : vector<16xi32>
        %mul3A_131 = arith.constant 65 : i32
        %mul3A_132 = vector.broadcast %mul3A_131 : i32 to vector<16xi32>
        %mul3A_133 = arith.muli %sub3A_120, %mul3A_132 : vector<16xi32>
        %add3A_134 = arith.addi %mul3A_133, %convert_element_type3A_114 : vector<16xi32>
        %select_n3A = arith.select %and3A, %add3A_134, %add3A_130 : vector<16xi1>, vector<16xi32>
        %mul3A_135 = arith.constant 16 : i32
        %mul3A_136 = arith.muli %scan3A_102, %mul3A_135 : i32
        %swap3A = arith.index_cast %mul3A_136 : i32 to index
        %swap3A_137 = tpu.vector_load %arg10[%swap3A] {strides = array<i32>} : memref<2000xi32, #tpu.memory_space<vmem>>, vector<16xi32>,
        tpu.vector_store %arg10[%swap3A], %select_n3A {strides = array<i32>} : memref<2000xi32, #tpu.memory_space<vmem>>, vector<16xi32>,
        %mul3A_138 = arith.constant 16 : i32
        %mul3A_139 = arith.muli %scan3A_102, %mul3A_138 : i32
        %swap3A_140 = arith.index_cast %mul3A_139 : i32 to index
        %swap3A_141 = tpu.vector_load %arg11[%swap3A_140] {strides = array<i32>} : memref<2000xf32, #tpu.memory_space<vmem>>, vector<16xf32>,
        tpu.vector_store %arg11[%swap3A_140], %sub3A {strides = array<i32>} : memref<2000xf32, #tpu.memory_space<vmem>>, vector<16xf32>,
        %scan3A_142 = arith.constant 0 : i32
        scf.yield %scan3A_142 : i32
      }
      %scan3A_100 = arith.constant 125 : i32
      "tpu.region"() ({
        %run_scoped3A = tpu.sem_alloc : memref<!tpu.dma_semaphore, #tpu.memory_space<semaphore_mem>>
        %dma_start3A = arith.constant 0 : i32
        %dma_start3A_102 = tpu.memref_slice %arg17[%dma_start3A] : memref<1632000xf32, #tpu.memory_space<vmem_shared>> -> memref<1632000xf32, #tpu.memory_space<vmem_shared>>
        tpu.enqueue_indirect_dma source(%arg11 : memref<2000xf32, #tpu.memory_space<vmem>>) target(%dma_start3A_102 : memref<1632000xf32, #tpu.memory_space<vmem_shared>>) offsets(%arg10 : memref<2000xi32, #tpu.memory_space<vmem>>) semaphore(%run_scoped3A : memref<!tpu.dma_semaphore, #tpu.memory_space<semaphore_mem>>) {add = true}
        %dma_wait3A = arith.constant 0 : i32
        %dma_wait3A_103 = tpu.memref_slice %arg17[%dma_wait3A] : memref<1632000xf32, #tpu.memory_space<vmem_shared>> -> memref<1632000xf32, #tpu.memory_space<vmem_shared>>
        tpu.wait_indirect_dma semaphore(%run_scoped3A : memref<!tpu.dma_semaphore, #tpu.memory_space<semaphore_mem>>) src(%arg11 : memref<2000xf32, #tpu.memory_space<vmem>>) dst(%dma_wait3A_103 : memref<1632000xf32, #tpu.memory_space<vmem_shared>>)
        tpu.yield
      }) : () -> ()
      %scan3A_101 = arith.constant 0 : i32
      scf.yield %scan3A_101 : i32
    }
    %scan3A_78 = arith.constant 25 : i32
    %barrier3A_79 = arith.constant 0 : index
    tpu.barrier barrier_id(%barrier3A_79)
    %scan3A_80 = arith.constant 0 : i32
    %scan3A_81 = arith.constant 0 : i32
    %scan3A_82 = arith.constant 26 : i32
    %scan3A_83 = arith.addi %scan3A_81, %scan3A_82 : i32
    %scan3A_84 = arith.constant 1 : i32
    %scan3A_85 = scf.for %scan3A_87 = %scan3A_81 to %scan3A_83 step %scan3A_84 iter_args(%scan3A_88 = %scan3A_80) -> (i32)  : i32 {
      %mul3A_89 = arith.constant 101920 : i32
      %mul3A_90 = arith.muli %arg1, %mul3A_89 : i32
      %mul3A_91 = arith.constant 3920 : i32
      %mul3A_92 = arith.muli %scan3A_87, %mul3A_91 : i32
      %add3A_93 = arith.addi %mul3A_90, %mul3A_92 : i32
      "tpu.region"() ({
        %run_scoped3A = tpu.sem_alloc : memref<!tpu.dma_semaphore, #tpu.memory_space<semaphore_mem>>
        %dma_start3A = tpu.memref_slice %arg17[%add3A_93] : memref<1632000xf32, #tpu.memory_space<vmem_shared>> -> memref<3920xf32, #tpu.memory_space<vmem_shared>>
        %dma_start3A_98 = tpu.memref_slice %arg17[%add3A_93] : memref<1632000xf32, #tpu.memory_space<vmem_shared>> -> memref<3920xf32, #tpu.memory_space<vmem_shared>>
        tpu.enqueue_dma source(%dma_start3A_98 : memref<3920xf32, #tpu.memory_space<vmem_shared>>) target(%arg14 : memref<3920xf32, #tpu.memory_space<vmem>>) target_semaphore(%run_scoped3A : memref<!tpu.dma_semaphore, #tpu.memory_space<semaphore_mem>>)
        %dma_wait3A = tpu.memref_slice %arg17[%add3A_93] : memref<1632000xf32, #tpu.memory_space<vmem_shared>> -> memref<3920xf32, #tpu.memory_space<vmem_shared>>
        %dma_wait3A_99 = tpu.memref_slice %arg17[%add3A_93] : memref<1632000xf32, #tpu.memory_space<vmem_shared>> -> memref<3920xf32, #tpu.memory_space<vmem_shared>>
        tpu.wait_dma2 semaphore(%run_scoped3A : memref<!tpu.dma_semaphore, #tpu.memory_space<semaphore_mem>>) src(%dma_wait3A_99 : memref<3920xf32, #tpu.memory_space<vmem_shared>>) dst(%arg14 : memref<3920xf32, #tpu.memory_space<vmem>>)
        tpu.yield
      }) : () -> ()
      %mul3A_94 = arith.constant 1630720 : i32
      %mul3A_95 = arith.muli %arg0, %mul3A_94 : i32
      %add3A_96 = arith.addi %mul3A_95, %add3A_93 : i32
      "tpu.region"() ({
        %run_scoped3A = tpu.sem_alloc : memref<!tpu.dma_semaphore, #tpu.memory_space<semaphore_mem>>
        %dma_start3A = tpu.memref_slice %arg6[%add3A_96] : memref<3261440xf32, #tpu.memory_space<hbm>> -> memref<3920xf32, #tpu.memory_space<hbm>>
        %dma_start3A_98 = tpu.memref_slice %arg6[%add3A_96] : memref<3261440xf32, #tpu.memory_space<hbm>> -> memref<3920xf32, #tpu.memory_space<hbm>>
        tpu.enqueue_dma source(%arg14 : memref<3920xf32, #tpu.memory_space<vmem>>) target(%dma_start3A_98 : memref<3920xf32, #tpu.memory_space<hbm>>) target_semaphore(%run_scoped3A : memref<!tpu.dma_semaphore, #tpu.memory_space<semaphore_mem>>)
        %dma_wait3A = tpu.memref_slice %arg6[%add3A_96] : memref<3261440xf32, #tpu.memory_space<hbm>> -> memref<3920xf32, #tpu.memory_space<hbm>>
        %dma_wait3A_99 = tpu.memref_slice %arg6[%add3A_96] : memref<3261440xf32, #tpu.memory_space<hbm>> -> memref<3920xf32, #tpu.memory_space<hbm>>
        tpu.wait_dma2 semaphore(%run_scoped3A : memref<!tpu.dma_semaphore, #tpu.memory_space<semaphore_mem>>) src(%arg14 : memref<3920xf32, #tpu.memory_space<vmem>>) dst(%dma_wait3A_99 : memref<3920xf32, #tpu.memory_space<hbm>>)
        tpu.yield
      }) : () -> ()
      %scan3A_97 = arith.constant 0 : i32
      scf.yield %scan3A_97 : i32
    }
    %scan3A_86 = arith.constant 26 : i32
    return
  }
}

module attributes {stable_mosaic.version = 14 : i64} {
  func.func @_tc_body(%arg0: i32, %arg1: memref<512x65xf32, #tpu.memory_space<vmem>>, %arg2: memref<512x1xf32, #tpu.memory_space<vmem>>, %arg3: memref<512x1xi32, #tpu.memory_space<vmem>>, %arg4: memref<512x1xi32, #tpu.memory_space<vmem>>, %arg5: memref<65x32xf32, #tpu.memory_space<vmem>>, %arg6: memref<1x32xf32, #tpu.memory_space<vmem>>, %arg7: memref<32x1xf32, #tpu.memory_space<vmem>>, %arg8: memref<1x1024xf32, #tpu.memory_space<vmem>>, %arg9: memref<1024x32xf32, #tpu.memory_space<vmem>>) attributes {dimension_semantics = [#tpu.dimension_semantics<arbitrary>], iteration_bounds = array<i64: 98>, scalar_prefetch = 0 : i64, scratch_operands = 1 : i64, tpu.core_type = #tpu.core_type<tc>, window_params = [{transform_indices = @transform_0, window_bounds = array<i64: 512, 65>}, {transform_indices = @transform_1, window_bounds = array<i64: 512, 1>}, {transform_indices = @transform_2, window_bounds = array<i64: 512, 1>}, {transform_indices = @transform_3, window_bounds = array<i64: 512, 1>}, {pipeline_mode = #tpu.pipeline_mode<synchronous>, transform_indices = @transform_4, window_bounds = array<i64: 65, 32>}, {pipeline_mode = #tpu.pipeline_mode<synchronous>, transform_indices = @transform_5, window_bounds = array<i64: 1, 32>}, {pipeline_mode = #tpu.pipeline_mode<synchronous>, transform_indices = @transform_6, window_bounds = array<i64: 32, 1>}, {pipeline_mode = #tpu.pipeline_mode<synchronous>, transform_indices = @transform_7, window_bounds = array<i64: 1, 1024>}]} {
    %get3A = arith.constant 0 : index
    %get3A_0 = arith.constant 0 : index
    %get3A_1 = vector.load %arg1[%get3A, %get3A_0] : memref<512x65xf32, #tpu.memory_space<vmem>>, vector<512x65xf32>
    %get3A_2 = arith.constant 0 : index
    %get3A_3 = arith.constant 0 : index
    %get3A_4 = vector.load %arg2[%get3A_2, %get3A_3] : memref<512x1xf32, #tpu.memory_space<vmem>>, vector<512x1xf32>
    %get3A_5 = arith.constant 0 : index
    %get3A_6 = arith.constant 0 : index
    %get3A_7 = vector.load %arg3[%get3A_5, %get3A_6] : memref<512x1xi32, #tpu.memory_space<vmem>>, vector<512x1xi32>
    %get3A_8 = arith.constant 0 : index
    %get3A_9 = arith.constant 0 : index
    %get3A_10 = vector.load %arg4[%get3A_8, %get3A_9] : memref<512x1xi32, #tpu.memory_space<vmem>>, vector<512x1xi32>
    %get3A_11 = arith.constant 0 : index
    %get3A_12 = arith.constant 0 : index
    %get3A_13 = vector.load %arg5[%get3A_11, %get3A_12] : memref<65x32xf32, #tpu.memory_space<vmem>>, vector<65x32xf32>
    %convert_element_type3A = arith.truncf %get3A_13 : vector<65x32xf32> to vector<65x32xbf16>
    %iota3A = tpu.iota {dimensions = array<i32: 1>} : vector<512x65xi32>
    %eq3A = vector.broadcast %get3A_7 : vector<512x1xi32> to vector<512x65xi32>
    %eq3A_14 = arith.cmpi eq, %iota3A, %eq3A : vector<512x65xi32>
    %jit3A = arith.constant 1.000000e+00 : f32
    %jit3A_15 = arith.constant 0.000000e+00 : f32
    %broadcast_in_dim3A = vector.broadcast %jit3A : f32 to vector<512x65xf32>
    %broadcast_in_dim3A_16 = vector.broadcast %jit3A_15 : f32 to vector<512x65xf32>
    %select_n3A = arith.select %eq3A_14, %broadcast_in_dim3A, %broadcast_in_dim3A_16 : vector<512x65xi1>, vector<512x65xf32>
    %mul3A = vector.broadcast %get3A_4 : vector<512x1xf32> to vector<512x65xf32>
    %mul3A_17 = arith.mulf %mul3A, %select_n3A : vector<512x65xf32>
    %add3A = arith.addf %get3A_1, %mul3A_17 : vector<512x65xf32>
    %convert_element_type3A_18 = arith.truncf %add3A : vector<512x65xf32> to vector<512x65xbf16>
    %convert_element_type3A_19 = arith.extf %convert_element_type3A_18 : vector<512x65xbf16> to vector<512x65xf32>
    %sub3A = arith.subf %add3A, %convert_element_type3A_19 : vector<512x65xf32>
    %convert_element_type3A_20 = arith.truncf %sub3A : vector<512x65xf32> to vector<512x65xbf16>
    %dot_general3A = arith.constant dense<0.000000e+00> : vector<512x32xf32>
    %dot_general3A_21 = tpu.matmul %convert_element_type3A_18, %convert_element_type3A, %dot_general3A {dimension_numbers = #tpu.dot_dimension_numbers<[1], [0], [0], [1], [0, 0, 1, 1], [], []>, transpose_lhs_hint = false} : vector<512x65xbf16>, vector<65x32xbf16>, vector<512x32xf32> -> vector<512x32xf32>
    %dot_general3A_22 = arith.constant dense<0.000000e+00> : vector<512x32xf32>
    %dot_general3A_23 = tpu.matmul %convert_element_type3A_20, %convert_element_type3A, %dot_general3A_22 {dimension_numbers = #tpu.dot_dimension_numbers<[1], [0], [0], [1], [0, 0, 1, 1], [], []>, transpose_lhs_hint = false} : vector<512x65xbf16>, vector<65x32xbf16>, vector<512x32xf32> -> vector<512x32xf32>
    %add3A_24 = arith.addf %dot_general3A_21, %dot_general3A_23 : vector<512x32xf32>
    %mul3A_25 = vector.broadcast %get3A_4 : vector<512x1xf32> to vector<512x32xf32>
    %mul3A_26 = arith.mulf %mul3A_25, %add3A_24 : vector<512x32xf32>
    %get3A_27 = arith.constant 0 : index
    %get3A_28 = arith.constant 0 : index
    %get3A_29 = vector.load %arg6[%get3A_27, %get3A_28] : memref<1x32xf32, #tpu.memory_space<vmem>>, vector<1x32xf32>
    %add3A_30 = vector.broadcast %get3A_29 : vector<1x32xf32> to vector<512x32xf32>
    %add3A_31 = arith.addf %mul3A_26, %add3A_30 : vector<512x32xf32>
    %tanh3A = math.tanh %add3A_31 : vector<512x32xf32>
    %iota3A_32 = tpu.iota {dimensions = array<i32: 0>} : vector<512x1xi32>
    %mul3A_33 = arith.constant 512 : i32
    %mul3A_34 = arith.muli %arg0, %mul3A_33 : i32
    %add3A_35 = vector.broadcast %mul3A_34 : i32 to vector<512x1xi32>
    %add3A_36 = arith.addi %iota3A_32, %add3A_35 : vector<512x1xi32>
    %lt3A = arith.constant 50000 : i32
    %lt3A_37 = vector.broadcast %lt3A : i32 to vector<512x1xi32>
    %lt3A_38 = arith.cmpi slt, %add3A_36, %lt3A_37 : vector<512x1xi32>
    %jit3A_39 = arith.constant 0.000000e+00 : f32
    %broadcast_in_dim3A_40 = vector.shape_cast %lt3A_38 : vector<512x1xi1> to vector<512x1xi1>
    %broadcast_in_dim3A_41 = vector.broadcast %broadcast_in_dim3A_40 : vector<512x1xi1> to vector<512x32xi1>
    %broadcast_in_dim3A_42 = vector.broadcast %jit3A_39 : f32 to vector<512x32xf32>
    %select_n3A_43 = arith.select %broadcast_in_dim3A_41, %tanh3A, %broadcast_in_dim3A_42 : vector<512x32xi1>, vector<512x32xf32>
    %iota3A_44 = tpu.iota {dimensions = array<i32: 1>} : vector<512x1024xi32>
    %eq3A_45 = vector.broadcast %get3A_10 : vector<512x1xi32> to vector<512x1024xi32>
    %eq3A_46 = arith.cmpi eq, %iota3A_44, %eq3A_45 : vector<512x1024xi32>
    %convert_element_type3A_47 = arith.extui %eq3A_46 : vector<512x1024xi1> to vector<512x1024xi32>
    %convert_element_type3A_48 = arith.sitofp %convert_element_type3A_47 : vector<512x1024xi32> to vector<512x1024xf32>
    %convert_element_type3A_49 = arith.truncf %convert_element_type3A_48 : vector<512x1024xf32> to vector<512x1024xbf16>
    %convert_element_type3A_50 = arith.truncf %select_n3A_43 : vector<512x32xf32> to vector<512x32xbf16>
    %convert_element_type3A_51 = arith.extf %convert_element_type3A_50 : vector<512x32xbf16> to vector<512x32xf32>
    %sub3A_52 = arith.subf %select_n3A_43, %convert_element_type3A_51 : vector<512x32xf32>
    %convert_element_type3A_53 = arith.truncf %sub3A_52 : vector<512x32xf32> to vector<512x32xbf16>
    %dot_general3A_54 = arith.constant dense<0.000000e+00> : vector<1024x32xf32>
    %dot_general3A_55 = tpu.matmul %convert_element_type3A_49, %convert_element_type3A_50, %dot_general3A_54 {dimension_numbers = #tpu.dot_dimension_numbers<[0], [0], [1], [1], [0, 1, 1, 1], [], []>, transpose_lhs_hint = false} : vector<512x1024xbf16>, vector<512x32xbf16>, vector<1024x32xf32> -> vector<1024x32xf32>
    %dot_general3A_56 = arith.constant dense<0.000000e+00> : vector<1024x32xf32>
    %dot_general3A_57 = tpu.matmul %convert_element_type3A_49, %convert_element_type3A_53, %dot_general3A_56 {dimension_numbers = #tpu.dot_dimension_numbers<[0], [0], [1], [1], [0, 1, 1, 1], [], []>, transpose_lhs_hint = false} : vector<512x1024xbf16>, vector<512x32xbf16>, vector<1024x32xf32> -> vector<1024x32xf32>
    %add3A_58 = arith.addf %dot_general3A_55, %dot_general3A_57 : vector<1024x32xf32>
    %eq3A_59 = arith.constant 0 : i32
    %eq3A_60 = arith.cmpi eq, %arg0, %eq3A_59 : i32
    %convert_element_type3A_61 = arith.extui %eq3A_60 : i1 to i32
    %cond3A = arith.constant 0 : i32
    %cond3A_62 = arith.cmpi ne, %convert_element_type3A_61, %cond3A : i32
    scf.if %cond3A_62 {
      %broadcast_in_dim3A_74 = arith.constant 0.000000e+00 : f32
      %broadcast_in_dim3A_75 = vector.broadcast %broadcast_in_dim3A_74 : f32 to vector<1024x32xf32>
      %swap3A_76 = arith.constant 0 : index
      %swap3A_77 = arith.constant 0 : index
      %swap3A_78 = vector.load %arg9[%swap3A_76, %swap3A_77] : memref<1024x32xf32, #tpu.memory_space<vmem>>, vector<1024x32xf32>
      tpu.vector_store %arg9[%swap3A_76, %swap3A_77], %broadcast_in_dim3A_75 {strides = array<i32>} : memref<1024x32xf32, #tpu.memory_space<vmem>>, vector<1024x32xf32>,
    } else {
    }
    %get3A_63 = arith.constant 0 : index
    %get3A_64 = arith.constant 0 : index
    %get3A_65 = vector.load %arg9[%get3A_63, %get3A_64] : memref<1024x32xf32, #tpu.memory_space<vmem>>, vector<1024x32xf32>
    %add3A_66 = arith.addf %get3A_65, %add3A_58 : vector<1024x32xf32>
    %swap3A = arith.constant 0 : index
    %swap3A_67 = arith.constant 0 : index
    %swap3A_68 = vector.load %arg9[%swap3A, %swap3A_67] : memref<1024x32xf32, #tpu.memory_space<vmem>>, vector<1024x32xf32>
    tpu.vector_store %arg9[%swap3A, %swap3A_67], %add3A_66 {strides = array<i32>} : memref<1024x32xf32, #tpu.memory_space<vmem>>, vector<1024x32xf32>,
    %eq3A_69 = arith.constant 97 : i32
    %eq3A_70 = arith.cmpi eq, %arg0, %eq3A_69 : i32
    %convert_element_type3A_71 = arith.extui %eq3A_70 : i1 to i32
    %cond3A_72 = arith.constant 0 : i32
    %cond3A_73 = arith.cmpi ne, %convert_element_type3A_71, %cond3A_72 : i32
    scf.if %cond3A_73 {
      %get3A_74 = arith.constant 0 : index
      %get3A_75 = arith.constant 0 : index
      %get3A_76 = vector.load %arg9[%get3A_74, %get3A_75] : memref<1024x32xf32, #tpu.memory_space<vmem>>, vector<1024x32xf32>
      %convert_element_type3A_77 = arith.truncf %get3A_76 : vector<1024x32xf32> to vector<1024x32xbf16>
      %get3A_78 = arith.constant 0 : index
      %get3A_79 = arith.constant 0 : index
      %get3A_80 = vector.load %arg7[%get3A_78, %get3A_79] : memref<32x1xf32, #tpu.memory_space<vmem>>, vector<32x1xf32>
      %convert_element_type3A_81 = arith.truncf %get3A_80 : vector<32x1xf32> to vector<32x1xbf16>
      %dot_general3A_82 = arith.constant dense<0.000000e+00> : vector<1x1024xf32>
      %dot_general3A_83 = tpu.matmul %convert_element_type3A_81, %convert_element_type3A_77, %dot_general3A_82 {dimension_numbers = #tpu.dot_dimension_numbers<[0], [1], [1], [0], [0, 1, 1, 0], [], []>, transpose_lhs_hint = false} : vector<32x1xbf16>, vector<1024x32xbf16>, vector<1x1024xf32> -> vector<1x1024xf32>
      %swap3A_84 = arith.constant 0 : index
      %swap3A_85 = arith.constant 0 : index
      %swap3A_86 = vector.load %arg8[%swap3A_84, %swap3A_85] : memref<1x1024xf32, #tpu.memory_space<vmem>>, vector<1x1024xf32>
      tpu.vector_store %arg8[%swap3A_84, %swap3A_85], %dot_general3A_83 {strides = array<i32>} : memref<1x1024xf32, #tpu.memory_space<vmem>>, vector<1x1024xf32>,
    } else {
    }
    return
  }
  func.func @transform_0(%arg0: i32) -> (i32, i32) {
    %c0_i32 = arith.constant 0 : i32
    %c0_i32_0 = arith.constant 0 : i32
    return %arg0, %c0_i32 : i32, i32
  }
  func.func @transform_1(%arg0: i32) -> (i32, i32) {
    %c0_i32 = arith.constant 0 : i32
    %c0_i32_0 = arith.constant 0 : i32
    return %arg0, %c0_i32 : i32, i32
  }
  func.func @transform_2(%arg0: i32) -> (i32, i32) {
    %c0_i32 = arith.constant 0 : i32
    %c0_i32_0 = arith.constant 0 : i32
    return %arg0, %c0_i32 : i32, i32
  }
  func.func @transform_3(%arg0: i32) -> (i32, i32) {
    %c0_i32 = arith.constant 0 : i32
    %c0_i32_0 = arith.constant 0 : i32
    return %arg0, %c0_i32 : i32, i32
  }
  func.func @transform_4(%arg0: i32) -> (i32, i32) {
    %c0_i32 = arith.constant 0 : i32
    %c0_i32_0 = arith.constant 0 : i32
    %c0_i32_1 = arith.constant 0 : i32
    return %c0_i32, %c0_i32_0 : i32, i32
  }
  func.func @transform_5(%arg0: i32) -> (i32, i32) {
    %c0_i32 = arith.constant 0 : i32
    %c0_i32_0 = arith.constant 0 : i32
    %c0_i32_1 = arith.constant 0 : i32
    return %c0_i32, %c0_i32_0 : i32, i32
  }
  func.func @transform_6(%arg0: i32) -> (i32, i32) {
    %c0_i32 = arith.constant 0 : i32
    %c0_i32_0 = arith.constant 0 : i32
    %c0_i32_1 = arith.constant 0 : i32
    return %c0_i32, %c0_i32_0 : i32, i32
  }
  func.func @transform_7(%arg0: i32) -> (i32, i32) {
    %c0_i32 = arith.constant 0 : i32
    %c0_i32_0 = arith.constant 0 : i32
    %c0_i32_1 = arith.constant 0 : i32
    return %c0_i32, %c0_i32_0 : i32, i32
  }
}

</mosaic_0001>

<sc_bundles>
// kernel: kernel.4.cloned.1.call-start
scs
__scs_entry_jumppad:
0x0: {  	(pc) =	sbr.rel $0x88, $3  }
0x1: {  	(tag) =	ssettag $0x0;
	lr =	simm.s32 $0x1  }
0x2: {  	[smem:$0x3F9A] =	sst lr;
	_ =	strace $0xD0000000  }
0x3: {  	_ = 	snop  }
0x4: {  	_ = 	snop  }
0x5: {  	_ = 	snop  }
0x6: {  	_ = 	snop  }
0x7: {  	_ = 	snop  }
__scs_overlays_trampoline_lowered:
0x8: {  	[smem:$0x3FA9] =	sst s0  }
0x9: {  	[smem:$0x3FAA] =	sst s1  }
0xa: {  	[smem:$0x3FAB] =	sst s2  }
0xb: {  	[smem:$0x3FAC] =	sst s3  }
0xc: {  	[smem:$0x3FAD] =	sst s4  }
0xd: {  	[smem:$0x3FAE] =	sst s5  }
0xe: {  	[smem:$0x3FAF] =	sst s6  }
0xf: {  	[smem:$0x3FB0] =	sst s7  }
0x10: {  	[smem:$0x3FB1] =	sst s8  }
0x11: {  	[smem:$0x3FB2] =	sst s9;
	s0 =	simm.s32 @!p0 $0x0  }
0x12: {  	s1 =	sld [smem:$0x3F98];
	s0 =	simm.s32 @p0 $0x1  }
0x13: {  	[smem:$0x3FB3] =	sst s0;
	s0 =	simm.s32 @!p1 $0x0  }
0x14: {  	s2 =	sld [smem:$0x3F97];
	s0 =	simm.s32 @p1 $0x1  }
0x15: {  	[smem:$0x3FB4] =	sst s0;
	s0 =	simm.s32 @!p2 $0x0  }
0x16: {  	s3 =	sld [smem:$0x3FDB];
	s0 =	simm.s32 @p2 $0x1  }
0x17: {  	s4 =	simm.s32 $0x1BF5;
	[smem:$0x3FB6] =	sst s0  }
0x18: {  	s0 =	sld [smem:$0x3F99];
	_ =	swait.ge [sflag:s4], $0x0  }
0x19: {  	s7 =	sld [smem:$0x3F9A]  }
0x1a: {  	s8 =	sadd.s32 $0xFFFFE003, lr  }
0x1b: {  	s9 =	sadd.s32 $0xFFFFFEF7, lr;
	s5 =	simm.s32 $0xFFFFFFFF;
	p2 =	slt.u32 s8, $0xFFFFF086  }
0x1c: {  	p1 =	slt.u32 s9, $0xF7A;
	s5 =	simm.s32 @!p2 $0x0  }
0x1d: {  	s5 =	simm.s32 @p1 $0x1;
	p0 =	seq.s32 s7, s2  }
0x1e: {  	s7 =	smul.u32 @!p0 $0xF7A, s2;
	p2 =	seq.s32 @!p0 s5, $0x0  }
0x1f: {  	s9 =	smul.u32 $0xF7A, s1;
	s8 =	simm.s32 @!p0 $0x1BF5;
	p2 =	por !p2, p0  }
0x20: {  	[sflag:s8] =	ssyncset.s32 @!p0 $0xFFFFF086;
	s6 =	sadd.s32 @!p0 s3, s7;
	s7 =	simm.s32 @!p0 $0x108  }
0x21: {  	s3 =	sadd.s32 s3, s9;
	s6 =	sadd.s32 @!p0 $0x88, s6;
	s7 =	simm.s32 @p2 $0x1082  }
0x22: {  	[simem:s7], [sflag:s8] =	dma.local @!p0 [hbm:s6], $0xF7A  }
0x23: {  	s9 =	sor.u32 $0xD0000000, s2;
	s6 =	simm.s32 $0x108;
	_ =	swait.ge @!p0 [sflag:s8], $0x0  }
0x24: {  	s3 =	sadd.s32 $0x88, s3;
	s6 =	simm.s32 @!p1 $0x1082;
	[sflag:s4] =	ssyncset.s32 $0xFFFFF086  }
0x25: {  	[simem:s6], [sflag:s4] =	dma.local [hbm:s3], $0xF7A  }
0x26: {  	[smem:$0x3F9A] =	sst s1;
	(tag) =	ssettag s2;
	_ =	strace s9  }
0x27: {  	s1 =	sld [smem:$0x3FAA]  }
0x28: {  	s2 =	sld [smem:$0x3FAB]  }
0x29: {  	s4 =	sld [smem:$0x3FAD]  }
0x2a: {  	p0 =	seq.s32 s5, $0x0;
	s5 =	sld [smem:$0x3FAE]  }
0x2b: {  	s6 =	sld [smem:$0x3FAF]  }
0x2c: {  	s7 =	sld [smem:$0x3FB0]  }
0x2d: {  	s3 =	simm.s32 $0x108;
	s8 =	sld [smem:$0x3FB1]  }
0x2e: {  	s3 =	simm.s32 @!p0 $0x1082;
	s9 =	sld [smem:$0x3FB2]  }
0x2f: {  	lr =	sadd.s32 s0, s3;
	s0 =	sld [smem:$0x3FA9]  }
0x30: {  	s3 =	sld [smem:$0x3FAC]  }
0x31: {  	[smem:$0x3FB5] =	sst s10  }
0x32: {  	s10 =	sld [smem:$0x3FB3];
	_ =	sdelay $0x3  }
0x33: {  	p0 =	seq.s32 s10, $0x1;
	s10 =	sld [smem:$0x3FB5];
	_ =	sdelay $0x3  }
0x34: {  	[smem:$0x3FB5] =	sst s10  }
0x35: {  	s10 =	sld [smem:$0x3FB4];
	_ =	sdelay $0x3  }
0x36: {  	p1 =	seq.s32 s10, $0x1;
	s10 =	sld [smem:$0x3FB5];
	_ =	sdelay $0x3  }
0x37: {  	[smem:$0x3FB5] =	sst s10  }
0x38: {  	s10 =	sld [smem:$0x3FB6]  }
0x39: {  	_ = 	snop;
	(pc) =	sbr.ind lr, $3  }
0x3a: {  	_ = 	snop  }
0x3b: {  	_ = 	snop  }
0x3c: {  	p2 =	seq.s32 s10, $0x1;
	s10 =	sld [smem:$0x3FB5]  }
0x3d: {  	_ =	shalt  }
0x3e: {  	_ =	shalt  }
0x3f: {  	_ =	shalt  }
0x40: {  	_ =	shalt  }
0x41: {  	_ =	shalt  }
0x42: {  	_ =	shalt  }
0x43: {  	_ =	shalt  }
0x44: {  	_ =	shalt  }
0x45: {  	_ =	shalt  }
0x46: {  	_ =	shalt  }
0x47: {  	_ =	shalt  }
0x48: {  	_ =	shalt  }
0x49: {  	_ =	shalt  }
0x4a: {  	_ =	shalt  }
0x4b: {  	_ =	shalt  }
0x4c: {  	_ =	shalt  }
0x4d: {  	_ =	shalt  }
0x4e: {  	_ =	shalt  }
0x4f: {  	_ =	shalt  }
0x50: {  	_ =	shalt  }
0x51: {  	_ =	shalt  }
0x52: {  	_ =	shalt  }
0x53: {  	_ =	shalt  }
0x54: {  	_ =	shalt  }
0x55: {  	_ =	shalt  }
0x56: {  	_ =	shalt  }
0x57: {  	_ =	shalt  }
0x58: {  	_ =	shalt  }
0x59: {  	_ =	shalt  }
0x5a: {  	_ =	shalt  }
0x5b: {  	_ =	shalt  }
0x5c: {  	_ =	shalt  }
0x5d: {  	_ =	shalt  }
0x5e: {  	_ =	shalt  }
0x5f: {  	_ =	shalt  }
0x60: {  	_ =	shalt  }
0x61: {  	_ =	shalt  }
0x62: {  	_ =	shalt  }
0x63: {  	_ =	shalt  }
0x64: {  	_ =	shalt  }
0x65: {  	_ =	shalt  }
0x66: {  	_ =	shalt  }
0x67: {  	_ =	shalt  }
0x68: {  	_ =	shalt  }
0x69: {  	_ =	shalt  }
0x6a: {  	_ =	shalt  }
0x6b: {  	_ =	shalt  }
0x6c: {  	_ =	shalt  }
0x6d: {  	_ =	shalt  }
0x6e: {  	_ =	shalt  }
0x6f: {  	_ =	shalt  }
0x70: {  	_ =	shalt  }
0x71: {  	_ =	shalt  }
0x72: {  	_ =	shalt  }
0x73: {  	_ =	shalt  }
0x74: {  	_ =	shalt  }
0x75: {  	_ =	shalt  }
0x76: {  	_ =	shalt  }
0x77: {  	_ =	shalt  }
0x78: {  	_ =	shalt  }
0x79: {  	_ =	shalt  }
0x7a: {  	_ =	shalt  }
0x7b: {  	_ =	shalt  }
0x7c: {  	_ =	shalt  }
0x7d: {  	_ =	shalt  }
0x7e: {  	_ =	shalt  }
0x7f: {  	_ =	shalt  }
0x80: {  	_ =	shalt  }
0x81: {  	_ =	shalt  }
0x82: {  	_ =	shalt  }
0x83: {  	_ =	shalt  }
0x84: {  	_ =	shalt  }
0x85: {  	_ =	shalt  }
0x86: {  	_ =	shalt  }
0x87: {  	_ =	shalt  }
.Lfunc_end0:
.L_simem_size_0:
called_computation_lowered:
.L_overlay_start_0:
0x88: {  	s2 =	sld [smem:$0x3FD9]  }
0x89: {  	s3 =	sld [smem:$0x3FFE];
	_ =	sdelay $0x1  }
0x8a: {  	s1 =	srdreg.scid  }
0x8b: {  	s0 =	sand.u32 $0x1, s1  }
0x8c: {  	s16 =	sshll.u32 s0, $0xA;
	s2 =	sadd.s32 s3, s2  }
0x8d: {  	s2 =	sadd.s32 s2, s16  }
0x8e: {  	[smem:$0x3FC1] =	sst s2  }
0x8f: {  	_ = 	snop  }
0x90: {  	(tm) =	ssettm $0x1  }
0x91: {  	s17 =	sld [smem:$0x3FFB];
	_ =	sdelay $0x3  }
0x92: {  	_ =	strace s17  }
0x93: {  	s2 =	sld [smem:$0x3FFC];
	_ =	sdelay $0x3  }
0x94: {  	_ =	strace s2  }
0x95: {  	s2 =	sld [smem:$0x3FFD];
	_ =	sdelay $0x3  }
0x96: {  	_ =	strace s2  }
0x97: {  	_ =	strace $0x8FFFFFFF  }
0x98: {  	s18 =	sld [smem:$0x3FDB];
	_ =	sdelay $0x1  }
0x99: {  	s19 =	simm.s32 $_scs_section_size  }
0x9a: {  	s4 =	simm.s32 $_size__tile_overlayer_lowered;
	s5 =	simm.s32 $_tile_overlayer_lowered  }
0x9b: {  	s22 =	simm.s32 $0x1BFF;
	s21 =	sshll.u32 s5, $0x1;
	s2 =	sadd.s32 s19, s18  }
0x9c: {  	s6 =	simm.s32 $0x0;
	s20 =	sshll.u32 s4, $0x1;
	s4 =	sadd.s32 s21, s2  }
0x9d: {  	[timem:s6], [sflag:s22] =	dma.local [hbm:s4], s20  }
0x9e: {  	_ =	swait.ge [sflag:s22], s20  }
0x9f: {  	s3 =	ssub.s32 $0x0, s20;
	[sflag:s22] =	ssyncset.done $0x0  }
0xa0: {  	[sflag:s22] =	ssyncadd.s32 s3;
	_ =	sdelay $0x1  }
0xa1: {  	s23 =	simm.s32 $0x1B8B  }
0xa2: {  	_ =	swait.ge [sflag:s23], $0x1  }
0xa3: {  	[sflag:s23] =	ssyncset.done $0x0  }
0xa4: {  	s25 =	simm.s32 $0x1B8E;
	s24 =	sld [smem:$0x3FFE];
	[sflag:s23] =	ssyncadd.s32 $0xFFFFFFFF  }
0xa5: {  	s26 =	simm.s32 $execute0_lowered;
	[smem:$0x3FD2] =	sst s25  }
0xa6: {  	s4 =	sshll.u32 s26, $0x1;
	_ =	strace $0x80000046;
	[dreg:$0x1] =	wrdreg $0xFFFFFFFF  }
0xa7: {  	s28 =	simm.s32 $_size_execute0_lowered;
	s2 =	sadd.s32 s2, s4;
	[dreg:$0x0] =	wrdreg $0x0  }
0xa8: {  	s4 =	sshll.u32 s28, $0x1;
	[dreg:$0x2] =	wrdreg s2  }
0xa9: {  	[dreg:$0x3] =	wrdreg s4  }
0xaa: {  	[dreg:$0x4] =	wrdreg $0xC0  }
0xab: {  	_ =	task [dreg:s6], $0x5FFFF  }
0xac: {  	[dreg:$0x1] =	wrdreg $0xFFFFFFFF  }
0xad: {  	[dreg:$0x0] =	wrdreg $0x60  }
0xae: {  	[dreg:$0x2] =	wrdreg s24  }
0xaf: {  	[dreg:$0x3] =	wrdreg $0x53800  }
0xb0: {  	[dreg:$0x4] =	wrdreg $0x5FC00  }
0xb1: {  	[dreg:$0x5] =	wrdreg $0x6C000  }
0xb2: {  	[dreg:$0x6] =	wrdreg $0x9  }
0xb3: {  	_ =	task.clear_ibuf [dreg:s6], $0x7FFFF;
	_ =	strace $0x90000046  }
0xb4: {  	s29 =	simm.s32 $0x9;
	_ =	strace $0x80000048  }
0xb5: {  	_ =	swait.ge [sflag:s29], $0x1  }
0xb6: {  	[sflag:s29] =	ssyncadd.s32 $0xFFFFFFFF  }
0xb7: {  	_ =	strace $0x90000048  }
0xb8: {  	_ =	sfence  }
0xb9: {  	s30 =	sld [smem:$0x0];
	_ =	sdelay $0x2  }
0xba: {  	s31 =	sshll.u32 s1, $0xD;
	s1 =	sshrl.u32 s1, $0x2  }
0xbb: {  	s3 =	sand.u32 $0x4000, s31;
	s1 =	sadd.s32 s1, s30  }
0xbc: {  	s0 =	sor.u32 s3, s0;
	s1 =	sshll.u32 s1, $0x11  }
0xbd: {  	s0 =	sor.u32 s1, s0  }
0xbe: {  	s0 =	sadd.s32 $0x8F2B, s0  }
0xbf: {  	[sflag:s0] =	ssyncadd.remote.s32 $0x1  }
0xc0: {  	_ =	sfence.sel $0xFFFF  }
0xc1: {  	[dreg:$0x0] =	wrdreg $0xFFFFFFFF;
	(pc) =	sbr.abs _section_cstart, $3  }
0xc2: {  	[dreg:$0x1] =	wrdreg $0xFFFFFFFF  }
0xc3: {  	_ =	task.clear_ibuf [dreg:s6], $0x2FFFF;
	_ =	strace $0x9FFFFFFF  }
0xc4: {  	(tm) =	ssettm $0x7FFFFFFF  }
0xc5: {  	_ =	shalt  }
tec
execute0_lowered:
.L_overlay_start_1:
0x0: {  	(tag) =	ssettag $0x1  }
0x1: {  	s0 =	rddreg [dreg:$0x0]  }
0x2: {  	s1 =	rddreg [dreg:$0x1]  }
0x3: {  	s2 =	rddreg [dreg:$0x2]  }
0x4: {  	s3 =	rddreg [dreg:$0x3]  }
0x5: {  	s9 =	stileid.u32;
	s5 =	srdreg.scid;
	s4 =	simm.s32 $0x0  }
0x6: {  	s18 =	simm.s32 $0x2800;
	s19 =	simm.s32 $0x1;
	s20 =	simm.s32 $0x1000  }
0x7: {  	s21 =	simm.s32 $0x7D0;
	s23 =	simm.s32 $0x3480;
	s12 =	smul.u32 $0xC40, s9  }
0x8: {  	s24 =	simm.s32 $0x1800;
	s26 =	simm.s32 $0x4400;
	s6 =	smul.u32 $0x18E20, s9  }
0x9: {  	s28 =	simm.s32 $0x0;
	s22 =	sand.u32 $0x1, s5;
	s13 =	smul.u32 $0x63880, s9  }
0xa: {  	[smem:$0x7FF] =	sst s4;
	s5 =	sadd.s32 $0x19600, s0;
	s16 =	smul.u32 $0x186A, s9  }
0xb: {  	s14 =	sadd.s32 $0x18E200, s3;
	p0 =	sne.s32 s9, $0x0;
	s7 =	smul.u32 $0x18E200, s22  }
0xc: {  	_ =	strace $0x80000047;
	s8 =	ssub.s32 $0x2, s22;
	s25 =	smul.u32 $0xFFFF9E00, s22  }
0xd: {  	p1 =	sne.s32 s22, $0x0;
	s22 =	simm.s32 $0x800;
	s29 =	sshrl.u32 s12, $0x3  }
0xe: {  	s10 =	sshrl.u32 s8, $0x1;
	s13 =	sshrl.u32 s13, $0x2;
	s11 =	sadd.s32 s29, s0  }
0xf: {  	s7 =	sadd.s32 s6, s7;
	s6 =	sadd.s32 $0xE00, s0;
	s15 =	ssub.s32 s8, s10  }
0x10: {  	s8 =	sadd.s32 s12, s1;
	s12 =	sadd.s32 s12, s2;
	s13 =	sadd.s32 s13, s3  }
0x11: {  	v0 =	vmov s25;
	s25 =	simm.s32 $0x2000;
	s7 =	sshrl.u32 s7, $0x3;
	s30 =	sadd.s32 $0x33800, s11  }
0x12: {  	s31 =	sadd.s32 $0x31E00, s11;
	s11 =	sadd.s32 $0x31EC4, s11;
	s15 =	smax.u32 s15, $0x1  }
0x13: {  	s16 =	sadd.s32 s16, s6;
	s0 =	sadd.s32 s7, s0;
	[dreg:$0x5] =	wrdreg s30  }
0x14: {  	v1 =	vimm.f32 $1.000000000e+00;
	v2 =	vimm.f32 $0.0e+00;
	s7 =	smul.u32 $0xC350, s9;
	[dreg:$0x6] =	wrdreg s31;
	s17 =	sadd.s32 $0x35200, s0  }
.LBB2_1:
0x15: {  	s0 =	simm.s32 $0x0  }
.LBB2_2:
0x16: {  	p2 =	sne.s32 s0, $0x30C0  }
.Ltmp0:
0x17: {  	_ = 	snop;
	(pc) =	sbr.rel @p2 .LBB2_2-.Ltmp0, $3  }
0x18: {  	_ =	sdelay $0x1  }
0x19: {  	s9 =	sshra.s32 s0, $0x2  }
0x1a: {  	s0 =	sadd.s32 $0x40, s0;
	[tilespmem:s9+$0x2800] =	vst v1  }
0x1b: {  	s0 =	simm.s32 $0x40;
	s9 =	simm.s32 $0x0  }
.LBB2_4:
0x1c: {  	p2 =	sne.s32 s0, $0x3D00;
	[tilespmem:s9+$0x3480] =	vst v2;
	s9 =	smov.u32 s0;
	s0 =	sadd.s32 $0x40, s0  }
.Ltmp1:
0x1d: {  	(pc) =	sbr.rel @p2 .LBB2_4-.Ltmp1, $2  }
0x1e: {  	_ =	sdelay $0x2  }
0x1f: {  	s9 =	sshra.s32 s9, $0x2  }
0x20: {  	[tilespmem:s9+$0x3480] =	vst v2  }
0x21: {  	[spmem:s8] =	stream.linear.scatter [tilespmem:s18], [sflag:$0x1], $0xC40, $0x38;
	[tilespmem:$0x1FA70] =	vst v63  }
0x22: {  	_ =	swait.ge [sflag:s19], $0xC40  }
0x23: {  	[sflag:s19] =	ssyncset.done $0x0  }
0x24: {  	[sflag:s19] =	ssyncadd.s32 $0xFFFFF3C0  }
0x25: {  	s0 =	sadd.s32 $0x0, s16;
	[bflag:$0x0] =	sbarrier.arrive $0xFFFF  }
0x26: {  	[tilespmem:s20], [sflag:$0x1] =	stream.linear.gather [hbm4b:s0+s4], $0x7D0, $0x38;
	[tilespmem:$0x1FA70] =	vst v63  }
0x27: {  	_ =	swait.ge [sflag:s19], $0x7D0  }
0x28: {  	[sflag:s19] =	ssyncset.done $0x0  }
0x29: {  	[sflag:s19] =	ssyncadd.s32 $0xFFFFF830  }
0x2a: {  	[spmem:s1] =	stream.indirect.scatter.add.f32 [tilespmem:s18], [sflag:$0x1], $0x1, s20, s21, $0xb8;
	[tilespmem:$0x1FA70] =	vst v63  }
0x2b: {  	_ =	swait.ge [sflag:s19], $0x7D0  }
0x2c: {  	s9 =	simm.s32 $0x1F4;
	s0 =	simm.s32 $0xFA;
	[sflag:s19] =	ssyncset.done $0x0  }
.LBB2_6:
0x2d: {  	s29 =	sadd.s32 s0, s16  }
0x2e: {  	[sflag:s19] =	ssyncadd.s32 $0xFFFFF830;
	s0 =	smov.u32 s9;
	s30 =	sadd.s32 $0xFA, s9  }
0x2f: {  	[tilespmem:s20], [sflag:$0x1] =	stream.linear.gather [hbm4b:s29+s4], $0x7D0, $0x38;
	[tilespmem:$0x1FA70] =	vst v63  }
0x30: {  	p2 =	sne.s32 s9, $0x1770;
	_ =	swait.ge [sflag:s19], $0x7D0  }
.Ltmp2:
0x31: {  	[sflag:s19] =	ssyncset.done $0x0;
	(pc) =	sbr.rel @p2 .LBB2_6-.Ltmp2, $4  }
0x32: {  	[sflag:s19] =	ssyncadd.s32 $0xFFFFF830  }
0x33: {  	[spmem:s1] =	stream.indirect.scatter.add.f32 [tilespmem:s18], [sflag:$0x1], $0x1, s20, s21, $0xb8;
	[tilespmem:$0x1FA70] =	vst v63  }
0x34: {  	_ =	swait.ge [sflag:s19], $0x7D0  }
0x35: {  	s9 =	smov.u32 s30;
	[sflag:s19] =	ssyncset.done $0x0  }
0x36: {  	s0 =	sadd.s32 s0, s16;
	[sflag:s19] =	ssyncadd.s32 $0xFFFFF830  }
0x37: {  	[tilespmem:s20], [sflag:$0x1] =	stream.linear.gather [hbm4b:s0+s4], $0x7D0, $0x38;
	[tilespmem:$0x1FA70] =	vst v63  }
0x38: {  	_ =	swait.ge [sflag:s19], $0x7D0  }
0x39: {  	[sflag:s19] =	ssyncset.done $0x0  }
0x3a: {  	[sflag:s19] =	ssyncadd.s32 $0xFFFFF830  }
0x3b: {  	[spmem:s1] =	stream.indirect.scatter.add.f32 [tilespmem:s18], [sflag:$0x1], $0x1, s20, s21, $0xb8;
	[tilespmem:$0x1FA70] =	vst v63  }
0x3c: {  	_ =	swait.ge [sflag:s19], $0x7D0  }
0x3d: {  	[sflag:s19] =	ssyncset.done $0x0  }
0x3e: {  	[sflag:s19] =	ssyncadd.s32 $0xFFFFF830  }
0x3f: {  	[bflag:$0x0] =	sbarrier.arrive $0xFFFF  }
0x40: {  	[tilespmem:s18], [sflag:$0x1] =	stream.linear.gather [spmem:s8], $0xC40, $0x38;
	[tilespmem:$0x1FA70] =	vst v63  }
0x41: {  	_ =	swait.ge [sflag:s19], $0xC40  }
0x42: {  	[sflag:s19] =	ssyncset.done $0x0  }
0x43: {  	s29 =	simm.s32 $0x0;
	s0 =	simm.s32 $0x40;
	[sflag:s19] =	ssyncadd.s32 $0xFFFFF3C0  }
.LBB2_8:
0x44: {  	p2 =	sne.s32 s0, $0x30C0;
	v3 =	vld [tilespmem:s29+$0x2800];
	_ =	sdelay $0x4  }
0x45: {  	v4 =	vshra.s32 v3, $0x1;
	v3 =	vmul.f32 $5.000000000e-01, v3  }
0x46: {  	v4 =	vsub.s32 $0x5F3759DF, v4  }
0x47: {  	v5 =	vmul.f32 v4, v3;
	_ =	sdelay $0x1  }
0x48: {  	v5 =	vmul.f32 v4, v5;
	_ =	sdelay $0x1  }
0x49: {  	v5 =	vsub.f32 $1.500000000e+00, v5;
	_ =	sdelay $0x1  }
0x4a: {  	v4 =	vmul.f32 v4, v5;
	_ =	sdelay $0x1  }
0x4b: {  	v5 =	vmul.f32 v4, v3;
	_ =	sdelay $0x1  }
0x4c: {  	v5 =	vmul.f32 v5, v4;
	_ =	sdelay $0x1  }
0x4d: {  	v5 =	vsub.f32 $1.500000000e+00, v5;
	_ =	sdelay $0x1  }
0x4e: {  	v4 =	vmul.f32 v5, v4;
	_ =	sdelay $0x1  }
0x4f: {  	v3 =	vmul.f32 v4, v3;
	_ =	sdelay $0x1  }
0x50: {  	v3 =	vmul.f32 v3, v4;
	_ =	sdelay $0x1  }
.Ltmp3:
0x51: {  	v3 =	vsub.f32 $1.500000000e+00, v3;
	(pc) =	sbr.rel @p2 .LBB2_8-.Ltmp3, $3  }
0x52: {  	_ = 	snop  }
0x53: {  	v3 =	vmul.f32 v3, v4;
	_ =	sdelay $0x1  }
0x54: {  	[tilespmem:s29+$0x2800] =	vst v3;
	s29 =	sshra.s32 s0, $0x2;
	s0 =	sadd.s32 $0x40, s0  }
0x55: {  	v3 =	vld [tilespmem:s29+$0x2800];
	_ =	sdelay $0x4  }
0x56: {  	v4 =	vshra.s32 v3, $0x1;
	v3 =	vmul.f32 $5.000000000e-01, v3  }
0x57: {  	v4 =	vsub.s32 $0x5F3759DF, v4  }
0x58: {  	v5 =	vmul.f32 v4, v3;
	_ =	sdelay $0x1  }
0x59: {  	v5 =	vmul.f32 v4, v5;
	_ =	sdelay $0x1  }
0x5a: {  	v5 =	vsub.f32 $1.500000000e+00, v5;
	_ =	sdelay $0x1  }
0x5b: {  	v4 =	vmul.f32 v4, v5;
	_ =	sdelay $0x1  }
0x5c: {  	v5 =	vmul.f32 v4, v3;
	_ =	sdelay $0x1  }
0x5d: {  	v5 =	vmul.f32 v5, v4;
	_ =	sdelay $0x1  }
0x5e: {  	v5 =	vsub.f32 $1.500000000e+00, v5;
	_ =	sdelay $0x1  }
0x5f: {  	v4 =	vmul.f32 v5, v4;
	_ =	sdelay $0x1  }
0x60: {  	v3 =	vmul.f32 v4, v3;
	_ =	sdelay $0x1  }
0x61: {  	v3 =	vmul.f32 v3, v4;
	_ =	sdelay $0x1  }
0x62: {  	v3 =	vsub.f32 $1.500000000e+00, v3;
	_ =	sdelay $0x1  }
0x63: {  	v3 =	vmul.f32 v3, v4;
	_ =	sdelay $0x1  }
0x64: {  	s0 =	simm.s32 @!p1 $0x0;
	s9 =	simm.s32 @!p1 $0x2800;
	s10 =	rddreg [dreg:$0x5];
	[tilespmem:s29+$0x2800] =	vst v3  }
0x65: {  	[hbm4b:s10+s0] =	stream.linear.scatter @!p1 [tilespmem:s9], [sflag:$0x1], $0xC40, $0x38;
	[tilespmem:$0x1FA70] =	vst v63  }
0x66: {  	s0 =	simm.s32 @!p1 $0x1  }
0x67: {  	_ =	swait.ge @!p1 [sflag:s0], $0xC40  }
0x68: {  	[sflag:s0] =	ssyncset.done @!p1 $0x0  }
0x69: {  	s30 =	simm.s32 $0x0;
	s31 =	rddreg [dreg:$0x6];
	[sflag:s0] =	ssyncadd.s32 @!p1 $0xFFFFF3C0  }
0x6a: {  	[tilespmem:s22], [sflag:$0x1] =	stream.linear.gather [hbm4b:s31+s30], $0x620, $0x38;
	[tilespmem:$0x1FA70] =	vst v63  }
0x6b: {  	_ =	swait.ge [sflag:s19], $0x620  }
0x6c: {  	[sflag:s19] =	ssyncset.done $0x0  }
0x6d: {  	s0 =	simm.s32 $0x0;
	[sflag:s19] =	ssyncadd.s32 $0xFFFFF9E0  }
0x6e: {  	v3 =	vld [tilespmem:s0+$0x800];
	_ =	sdelay $0x4  }
0x6f: {  	v4 =	vcvt.s32.f32 v3;
	v3 =	vld [tilespmem:s0+$0x2800];
	_ =	sdelay $0x2  }
0x70: {  	s29 =	simm.s32 $0x80;
	s9 =	simm.s32 $0x10;
	v4 =	vadd.f32 v4, v4  }
.LBB2_10:
0x71: {  	p2 =	sne.s32 s29, $0x1840;
	v5 =	vld [tilespmem:s9+$0x800]  }
0x72: {  	v3 =	vadd.f32 v4, v3;
	_ =	sdelay $0x1  }
.Ltmp4:
0x73: {  	[tilespmem:s0+$0x2800] =	vst v3;
	s0 =	smov.u32 s9;
	(pc) =	sbr.rel @p2 .LBB2_10-.Ltmp4, $3  }
0x74: {  	v3 =	vld [tilespmem:s0+$0x2800]  }
0x75: {  	v4 =	vcvt.s32.f32 v5;
	_ =	sdelay $0x1  }
0x76: {  	s9 =	sshra.s32 s29, $0x2;
	s29 =	sadd.s32 $0x40, s29;
	v4 =	vadd.f32 v4, v4  }
0x77: {  	v5 =	vld [tilespmem:s9+$0x800]  }
0x78: {  	v3 =	vadd.f32 v4, v3;
	_ =	sdelay $0x1  }
0x79: {  	[tilespmem:s0+$0x2800] =	vst v3  }
0x7a: {  	v3 =	vld [tilespmem:s9+$0x2800]  }
0x7b: {  	v4 =	vcvt.s32.f32 v5;
	_ =	sdelay $0x1  }
0x7c: {  	v4 =	vadd.f32 v4, v4;
	_ =	sdelay $0x1  }
0x7d: {  	v3 =	vadd.f32 v4, v3;
	_ =	sdelay $0x1  }
0x7e: {  	s31 =	simm.s32 $0x0;
	[tilespmem:s9+$0x2800] =	vst v3  }
0x7f: {  	[tilespmem:s22], [sflag:$0x1] =	stream.linear.gather [hbm4b:s11+s31], $0x620, $0x38;
	[tilespmem:$0x1FA70] =	vst v63  }
0x80: {  	_ =	swait.ge [sflag:s19], $0x620  }
0x81: {  	[sflag:s19] =	ssyncset.done $0x0  }
0x82: {  	s0 =	simm.s32 $0x0;
	[sflag:s19] =	ssyncadd.s32 $0xFFFFF9E0  }
0x83: {  	v3 =	vld [tilespmem:s0+$0x800];
	_ =	sdelay $0x4  }
0x84: {  	v4 =	vcvt.s32.f32 v3;
	v3 =	vld [tilespmem:s0+$0x2E20];
	_ =	sdelay $0x2  }
0x85: {  	s29 =	simm.s32 $0x80;
	s9 =	simm.s32 $0x10;
	v4 =	vadd.f32 v4, v4  }
.LBB2_12:
0x86: {  	p2 =	sne.s32 s29, $0x1840;
	v5 =	vld [tilespmem:s9+$0x800]  }
0x87: {  	v3 =	vadd.f32 v4, v3;
	_ =	sdelay $0x1  }
.Ltmp5:
0x88: {  	[tilespmem:s0+$0x2E20] =	vst v3;
	s0 =	smov.u32 s9;
	(pc) =	sbr.rel @p2 .LBB2_12-.Ltmp5, $3  }
0x89: {  	v3 =	vld [tilespmem:s0+$0x2E20]  }
0x8a: {  	v4 =	vcvt.s32.f32 v5;
	_ =	sdelay $0x1  }
0x8b: {  	s9 =	sshra.s32 s29, $0x2;
	s29 =	sadd.s32 $0x40, s29;
	v4 =	vadd.f32 v4, v4  }
0x8c: {  	v5 =	vld [tilespmem:s9+$0x800]  }
0x8d: {  	v3 =	vadd.f32 v4, v3;
	_ =	sdelay $0x1  }
0x8e: {  	[tilespmem:s0+$0x2E20] =	vst v3  }
0x8f: {  	v3 =	vld [tilespmem:s9+$0x2E20]  }
0x90: {  	v63 =	vcvt.s32.f32 v5;
	_ =	sdelay $0x1  }
0x91: {  	v4 =	vadd.f32 v63, v63;
	_ =	sdelay $0x1  }
0x92: {  	v3 =	vadd.f32 v4, v3;
	_ =	sdelay $0x1  }
0x93: {  	[tilespmem:s9+$0x2E20] =	vst v3  }
0x94: {  	[spmem:s12] =	stream.linear.scatter [tilespmem:s18], [sflag:$0x1], $0xC40, $0x38;
	[tilespmem:$0x1FA70] =	vst v63  }
0x95: {  	_ =	swait.ge [sflag:s19], $0xC40  }
0x96: {  	[sflag:s19] =	ssyncset.done $0x0  }
0x97: {  	[sflag:s19] =	ssyncadd.s32 $0xFFFFF3C0  }
0x98: {  	s31 =	sadd.s32 $0x0, s13;
	[bflag:$0x0] =	sbarrier.arrive $0xFFFF  }
0x99: {  	[spmem:s31] =	stream.linear.scatter [tilespmem:s23], [sflag:$0x1], $0xF50, $0x38;
	[tilespmem:$0x1FA70] =	vst v63  }
0x9a: {  	s0 =	simm.s32 $0x3D40;
	_ =	swait.ge [sflag:s19], $0xF50  }
.LBB2_14:
0x9b: {  	s9 =	sshra.s32 s0, $0x2;
	[sflag:s19] =	ssyncset.done $0x0;
	p2 =	sne.s32 s0, $0x5FB40  }
.Ltmp6:
0x9c: {  	s9 =	sadd.s32 s9, s13;
	[sflag:s19] =	ssyncadd.s32 $0xFFFFF0B0;
	(pc) =	sbr.rel @p2 .LBB2_14-.Ltmp6, $3  }
0x9d: {  	[spmem:s9] =	stream.linear.scatter [tilespmem:s23], [sflag:$0x1], $0xF50, $0x38;
	[tilespmem:$0x1FA70] =	vst v63  }
0x9e: {  	s0 =	sadd.s32 $0x3D40, s0;
	_ =	sdelay $0x1  }
0x9f: {  	_ =	swait.ge [sflag:s19], $0xF50  }
0xa0: {  	[sflag:s19] =	ssyncset.done $0x0  }
0xa1: {  	s0 =	simm.s32 @!p0 $0x3480;
	[sflag:s19] =	ssyncadd.s32 $0xFFFFF0B0  }
0xa2: {  	[spmem:s14] =	stream.linear.scatter @!p0 [tilespmem:s0], [sflag:$0x1], $0x500, $0x38;
	[tilespmem:$0x1FA70] =	vst v63  }
0xa3: {  	s0 =	simm.s32 @!p0 $0x1  }
0xa4: {  	_ =	swait.ge @!p0 [sflag:s0], $0x500  }
0xa5: {  	[sflag:s0] =	ssyncset.done @!p0 $0x0  }
0xa6: {  	[sflag:s0] =	ssyncadd.s32 @!p0 $0xFFFFFB00  }
0xa7: {  	s29 =	simm.s32 $0x0;
	s30 =	simm.s32 $0x0;
	[bflag:$0x0] =	sbarrier.arrive $0xFFFF  }
.LBB2_16:
0xa8: {  	s0 =	smul.u32 $0x7D0, s30;
	_ =	sdelay $0x1  }
0xa9: {  	s0 =	sadd.s32 s7, s0  }
0xaa: {  	s0 =	sshrl.u32 s0, $0x3  }
0xab: {  	s9 =	sadd.s32 s5, s0  }
0xac: {  	[tilespmem:s22], [sflag:$0x1] =	stream.linear.gather [hbm4b:s9+s29], $0x7D0, $0x38;
	[tilespmem:$0x1FA70] =	vst v63  }
0xad: {  	_ =	swait.ge [sflag:s19], $0x7D0  }
0xae: {  	[sflag:s19] =	ssyncset.done $0x0  }
0xaf: {  	s0 =	sadd.s32 s6, s0;
	[sflag:s19] =	ssyncadd.s32 $0xFFFFF830  }
0xb0: {  	[tilespmem:s20], [sflag:$0x1] =	stream.linear.gather [hbm4b:s0+s29], $0x7D0, $0x38;
	[tilespmem:$0x1FA70] =	vst v63  }
0xb1: {  	_ =	swait.ge [sflag:s19], $0x7D0  }
0xb2: {  	[sflag:s19] =	ssyncset.done $0x0  }
0xb3: {  	[sflag:s19] =	ssyncadd.s32 $0xFFFFF830  }
0xb4: {  	[tilespmem:s29], [sflag:$0x1] =	stream.indirect.gather [spmem:s2], $0x1, s22, s21, $0xb8;
	[tilespmem:$0x1FA70] =	vst v63  }
0xb5: {  	_ =	swait.ge [sflag:s19], $0x7D0  }
0xb6: {  	[sflag:s19] =	ssyncset.done $0x0  }
0xb7: {  	s31 =	simm.s32 $0x0;
	[sflag:s19] =	ssyncadd.s32 $0xFFFFF830  }
0xb8: {  	v3 =	vld [tilespmem:s31+$0x0];
	_ =	sdelay $0x3  }
0xb9: {  	v5 =	vld [tilespmem:s31+$0x1000]  }
0xba: {  	v4 =	vmul.f32 $5.000000000e-01, v3;
	_ =	sdelay $0x1  }
0xbb: {  	s0 =	simm.s32 $0x10;
	v4 =	vtrunc.f32 v4  }
0xbc: {  	v9 =	vcvt.f32.s32 v4;
	v4 =	vld [tilespmem:s0+$0x0]  }
0xbd: {  	v6 =	vadd.s32 v0, v5;
	v7 =	vand.u32 $0x3FF, v5;
	v5 =	vld [tilespmem:s0+$0x1000]  }
0xbe: {  	v8 =	vmul.u32 $0x41, v6  }
0xbf: {  	vm0 =	vlt.u32 v6, $0x6200  }
0xc0: {  	s9 =	simm.s32 $0x80;
	v6 =	vadd.s32 $0x18E200, v7;
	v7 =	vcvt.s32.f32 v9;
	v8 =	vadd.s32 v9, v8  }
.LBB2_17:
0xc1: {  	s10 =	sshra.s32 s9, $0x2;
	p2 =	sne.s32 s9, $0x1F00;
	s9 =	sadd.s32 $0x40, s9;
	v9 =	vmul.f32 $5.000000000e-01, v4;
	v6 =	vsel vm0, v8, v6;
	v8 =	vmov v4  }
.Ltmp7:
0xc2: {  	v4 =	vld [tilespmem:s10+$0x0];
	v10 =	vadd.s32 v0, v5;
	v11 =	vand.u32 $0x3FF, v5;
	v7 =	vadd.f32 v7, v7;
	[tilespmem:s31+$0x1800] =	vst v6;
	(pc) =	sbr.rel @p2 .LBB2_17-.Ltmp7, $3  }
0xc3: {  	v5 =	vld [tilespmem:s10+$0x1000];
	v6 =	vtrunc.f32 v9;
	vm0 =	vlt.u32 v10, $0x6200;
	v9 =	vmul.u32 $0x41, v10  }
0xc4: {  	v10 =	vcvt.f32.s32 v6;
	v6 =	vadd.s32 $0x18E200, v11;
	v11 =	vsub.f32 v3, v7;
	v3 =	vmovc v8;
	_ =	sdelay $0x1  }
0xc5: {  	v7 =	vcvt.s32.f32 v10;
	v8 =	vadd.s32 v10, v9;
	[tilespmem:s31+$0x2000] =	vst v11;
	s31 =	smov.u32 s0;
	s0 =	smov.u32 s10  }
0xc6: {  	v9 =	vmul.f32 $5.000000000e-01, v4;
	_ =	sdelay $0x1  }
0xc7: {  	v9 =	vtrunc.f32 v9  }
0xc8: {  	v9 =	vcvt.f32.s32 v9;
	_ =	sdelay $0x1  }
0xc9: {  	v10 =	vadd.s32 v0, v5;
	v7 =	vadd.f32 v7, v7;
	v11 =	vcvt.s32.f32 v9  }
0xca: {  	v6 =	vsel vm0, v8, v6;
	v59 =	vmul.u32 $0x41, v10  }
0xcb: {  	v60 =	vand.u32 $0x3FF, v5;
	v3 =	vsub.f32 v3, v7;
	v61 =	vadd.f32 v11, v11  }
0xcc: {  	[tilespmem:s31+$0x1800] =	vst v6;
	vm15 =	vlt.u32 v10, $0x6200;
	v5 =	vadd.s32 $0x18E200, v60;
	v62 =	vadd.s32 v9, v59  }
0xcd: {  	s30 =	sadd.s32 $0x1, s30;
	[tilespmem:s31+$0x2000] =	vst v3;
	v3 =	vsel vm15, v62, v5;
	v63 =	vsub.f32 v4, v61  }
0xce: {  	p2 =	sne.s32 s30, $0x19;
	[tilespmem:s0+$0x1800] =	vst v3  }
.Ltmp8:
0xcf: {  	[tilespmem:s0+$0x2000] =	vst v63;
	(pc) =	sbr.rel @p2 .LBB2_16-.Ltmp8, $4  }
0xd0: {  	[spmem:s3] =	stream.indirect.scatter.add.f32 [tilespmem:s25], [sflag:$0x1], $0x1, s24, s21, $0xb8;
	[tilespmem:$0x1FA70] =	vst v63  }
0xd1: {  	_ =	swait.ge [sflag:s19], $0x7D0  }
0xd2: {  	[sflag:s19] =	ssyncset.done $0x0  }
0xd3: {  	[sflag:s19] =	ssyncadd.s32 $0xFFFFF830  }
0xd4: {  	[bflag:$0x0] =	sbarrier.arrive $0xFFFF  }
0xd5: {  	[tilespmem:s26], [sflag:$0x1] =	stream.linear.gather [spmem:s13], $0xF50, $0x38;
	[tilespmem:$0x1FA70] =	vst v63  }
0xd6: {  	_ =	swait.ge [sflag:s19], $0xF50  }
0xd7: {  	[sflag:s19] =	ssyncset.done $0x0  }
0xd8: {  	s0 =	sadd.s32 $0x0, s17;
	[sflag:s19] =	ssyncadd.s32 $0xFFFFF0B0  }
0xd9: {  	[hbm4b:s0+s4] =	stream.linear.scatter [tilespmem:s26], [sflag:$0x1], $0xF50, $0x38;
	[tilespmem:$0x1FA70] =	vst v63  }
0xda: {  	_ =	swait.ge [sflag:s19], $0xF50  }
0xdb: {  	s9 =	smov.u32 s13;
	s0 =	simm.s32 $0x1EA;
	[sflag:s19] =	ssyncset.done $0x0  }
.LBB2_20:
0xdc: {  	p2 =	sne.s32 s0, $0x2FDA;
	[sflag:s19] =	ssyncadd.s32 $0xFFFFF0B0;
	s9 =	sadd.s32 $0xF50, s9  }
0xdd: {  	[tilespmem:s26], [sflag:$0x1] =	stream.linear.gather [spmem:s9], $0xF50, $0x38;
	[tilespmem:$0x1FA70] =	vst v63  }
0xde: {  	s10 =	smov.u32 s0;
	s0 =	sadd.s32 $0x1EA, s0;
	_ =	swait.ge [sflag:s19], $0xF50  }
.Ltmp9:
0xdf: {  	[sflag:s19] =	ssyncset.done $0x0;
	(pc) =	sbr.rel @p2 .LBB2_20-.Ltmp9, $4  }
0xe0: {  	s10 =	sadd.s32 s10, s17;
	[sflag:s19] =	ssyncadd.s32 $0xFFFFF0B0  }
0xe1: {  	[hbm4b:s10+s4] =	stream.linear.scatter [tilespmem:s26], [sflag:$0x1], $0xF50, $0x38;
	[tilespmem:$0x1FA70] =	vst v63  }
0xe2: {  	_ =	swait.ge [sflag:s19], $0xF50  }
0xe3: {  	[sflag:s19] =	ssyncset.done $0x0  }
0xe4: {  	s28 =	sadd.s32 $0x1, s28  }
0xe5: {  	p2 =	sne.s32 s28, s15  }
.Ltmp10:
0xe6: {  	_ = 	snop;
	(pc) =	sbr.rel @p2 .LBB2_1-.Ltmp10, $2  }
0xe7: {  	_ =	sdelay $0x2  }
0xe8: {  	[sflag:s19] =	ssyncadd.s32 $0xFFFFF0B0  }
0xe9: {  	_ =	sfence.sel $0x180000  }
0xea: {  	[bflag:$0x0] =	sbarrier.arrive $0xFFFF  }
0xeb: {  	_ =	strace $0x90000047  }
0xec: {  	[bflag:$0x2] =	sbarrier.arrive $0xFFFF  }
0xed: {  	s0 =	rddreg [dreg:$0x4]  }
0xee: {  	s0 =	sadd.s32 @!p0 $0x100000, s0  }
0xef: {  	[sflag:s0] =	ssyncadd.tile.s32 @!p0 $0x1;
	_ =	shalt  }
.Lfunc_end2:
_tile_overlayer_lowered:
.L_overlay_start_2:
0xf0: {  	(tag) =	ssettag $0x2  }
0xf1: {  	s0 =	rddreg [dreg:$0x0];
	s2 =	stileid.u32  }
0xf2: {  	s1 =	rddreg [dreg:$0x1];
	p0 =	sne.s32 s2, $0x0  }
0xf3: {  	s3 =	rddreg [dreg:$0x2];
	[bflag:$0x3] =	sbarrier.arrive $0xFFFF;
	s2 =	simm.s32 @!p0 $0x1C01  }
0xf4: {  	[timem:s3], [sflag:s2] =	dma.local @!p0 [hbm:s0], s1  }
0xf5: {  	s0 =	simm.s32 @!p0 $0x1  }
0xf6: {  	_ =	swait.ge @!p0 [sflag:s0], s1  }
0xf7: {  	s1 =	ssub.s32 @!p0 $0x0, s1;
	[sflag:s0] =	ssyncset.done @!p0 $0x0  }
0xf8: {  	[sflag:s0] =	ssyncadd.s32 @!p0 s1  }
0xf9: {  	[bflag:$0x3] =	sbarrier.arrive $0xFFFF  }
0xfa: {  	_ =	shalt  }

</sc_bundles>
